<compile_context>
chip_gen: v7x
topology: tpu7x:2x2x1
jax: 0.10.2.dev20260603
libtpu: 0.0.44.dev20260713+nightly
codegen_flags: <defaults>
</compile_context>

<pallas_src>
import functools

import jax
import jax.numpy as jnp
from jax import lax
from jax.experimental import pallas as pl
from jax.experimental.pallas import tpu as pltpu
from jax.experimental.pallas import tpu_sc as plsc

NUM_CORES = 2
NUM_SUBCORES = 16
NUM_WORKERS = NUM_CORES * NUM_SUBCORES


@functools.partial(jax.jit, static_argnames=("batch", "dim"))
def _lookup(user, item, user_weight, item_weight, *, batch, dim):
    b_per_w = batch // NUM_WORKERS
    pairs_per_w = b_per_w // 2

    mesh = plsc.VectorSubcoreMesh(core_axis_name="c", subcore_axis_name="s")

    @functools.partial(
        pl.kernel,
        mesh=mesh,
        out_type=(
            jax.ShapeDtypeStruct((batch // 2, 2 * dim), jnp.float32),
            jax.ShapeDtypeStruct((batch // 2, 2 * dim), jnp.float32),
        ),
        scratch_types=[
            pltpu.VMEM((b_per_w,), jnp.int32),
            pltpu.VMEM((b_per_w,), jnp.int32),
            pltpu.VMEM((pairs_per_w, 2 * dim), jnp.float32),
            pltpu.VMEM((pairs_per_w, 2 * dim), jnp.float32),
            pltpu.SemaphoreType.DMA,
        ],
    )
    def gather_kernel(user_hbm, item_hbm, uw_hbm, iw_hbm,
                      out_u_hbm, out_i_hbm,
                      idx_u, idx_i, rows_u, rows_i, gsem):
        wid = lax.axis_index("s") * NUM_CORES + lax.axis_index("c")
        base = wid * b_per_w
        pltpu.sync_copy(user_hbm.at[pl.ds(base, b_per_w)], idx_u)
        pltpu.sync_copy(item_hbm.at[pl.ds(base, b_per_w)], idx_i)

        def fire(g, carry):
            b = g * 16
            vu = idx_u[pl.ds(b, 16)]
            vi = idx_i[pl.ds(b, 16)]
            for k in range(16):
                j2 = g * 8 + (k // 2)
                off = (k % 2) * dim
                pltpu.make_async_copy(
                    uw_hbm.at[vu[k]],
                    rows_u.at[j2, pl.ds(off, dim)], gsem).start()
                pltpu.make_async_copy(
                    iw_hbm.at[vi[k]],
                    rows_i.at[j2, pl.ds(off, dim)], gsem).start()
            return carry

        lax.fori_loop(0, b_per_w // 16, fire, 0)
        pltpu.make_async_copy(
            out_u_hbm.at[pl.ds(0, pairs_per_w)], rows_u, gsem).wait()
        pltpu.make_async_copy(
            out_i_hbm.at[pl.ds(0, pairs_per_w)], rows_i, gsem).wait()
        pltpu.sync_copy(rows_u, out_u_hbm.at[pl.ds(wid * pairs_per_w,
                                                   pairs_per_w)])
        pltpu.sync_copy(rows_i, out_i_hbm.at[pl.ds(wid * pairs_per_w,
                                                   pairs_per_w)])

    return gather_kernel(user, item, user_weight, item_weight)


def kernel(user, item, user_weight, item_weight):
    batch = user.shape[0]
    dim = user_weight.shape[1]
    user = user.astype(jnp.int32)
    item = item.astype(jnp.int32)
    u2, i2 = _lookup(user, item, user_weight, item_weight,
                     batch=batch, dim=dim)
    return (u2.reshape(batch, dim), i2.reshape(batch, dim))

# --- scband reference (transcript-rebuilt; emitter-appended) ---
"""Pipeline reference for scband-rlbackbone-25357486915688 (READ-ONLY COPY).

The authoritative reference and input builder live on the scoring server;
editing this copy changes nothing except your own understanding.
"""

import jax, jax.numpy as jnp
import numpy as np

NUM_USERS = 1000001  # +1 stop row on users, per BPRMF.RLmodel()
NUM_ITEMS = 1000000
EMBED_DIM = 64
BATCH = 16384


def setup_inputs(seed: int = 0) -> dict:
    key = jax.random.key(seed)
    k1, k2, k3, k4 = jax.random.split(key, 4)
    user = jax.random.randint(k1, (BATCH,), 0, 1000000, dtype=jnp.int64 if jax.config.jax_enable_x64 else jnp.int32)
    item = jax.random.randint(k2, (BATCH,), 0, 1000000, dtype=jnp.int64 if jax.config.jax_enable_x64 else jnp.int32)
    # frozen pretrained tables, materialized as plain arrays
    user_weight = jax.random.normal(k3, (NUM_USERS, EMBED_DIM), dtype=jnp.float32)
    item_weight = jax.random.normal(k4, (NUM_ITEMS, EMBED_DIM), dtype=jnp.float32)
    return {"user": user, "item": item, "user_weight": user_weight, "item_weight": item_weight}


def reference(user, item, user_weight, item_weight):
    # _RLBackbone: get_user_embedding(user), get_item_embedding(item)
    # nn.Embedding lookup == row gather
    user_emb = jnp.take(user_weight, user, axis=0)
    item_emb = jnp.take(item_weight, item, axis=0)
    return (user_emb, item_emb)

if __name__ == "__main__":
    import jax
    _d = setup_inputs()
    print(jax.jit(kernel)(*tuple(_d.values())))

</pallas_src>

<mosaic_0001>
#map = affine_map<(d0, d1) -> (0)>
#map1 = affine_map<(d0, d1) -> (0, 0)>
module attributes {stable_mosaic.version = 14 : i64} {
  func.func @gather_kernel(%arg0: i32, %arg1: i32, %arg2: memref<16384xi32, #tpu.memory_space<hbm>>, %arg3: memref<16384xi32, #tpu.memory_space<hbm>>, %arg4: memref<1000001x64xf32, #tpu.memory_space<hbm>>, %arg5: memref<1000000x64xf32, #tpu.memory_space<hbm>>, %arg6: memref<8192x128xf32, #tpu.memory_space<hbm>>, %arg7: memref<8192x128xf32, #tpu.memory_space<hbm>>, %arg8: memref<512xi32, #tpu.memory_space<vmem>>, %arg9: memref<512xi32, #tpu.memory_space<vmem>>, %arg10: memref<256x128xf32, #tpu.memory_space<vmem>>, %arg11: memref<256x128xf32, #tpu.memory_space<vmem>>, %arg12: memref<!tpu.dma_semaphore, #tpu.memory_space<semaphore_mem>>) attributes {dimension_semantics = [#tpu.dimension_semantics<core_parallel>, #tpu.dimension_semantics<subcore_parallel>], iteration_bounds = array<i64: 2, 16>, scalar_prefetch = 0 : i64, scratch_operands = 5 : i64, tpu.core_type = #tpu.core_type<sc_vector_subcore>, window_params = [{transform_indices = #map}, {transform_indices = #map}, {transform_indices = #map1}, {transform_indices = #map1}, {transform_indices = #map1}, {transform_indices = #map1}]} {
    %mul3A = arith.constant 2 : i32
    %mul3A_0 = arith.muli %arg1, %mul3A : i32
    %add3A = arith.addi %mul3A_0, %arg0 : i32
    %mul3A_1 = arith.constant 512 : i32
    %mul3A_2 = arith.muli %add3A, %mul3A_1 : i32
    "tpu.region"() ({
      %run_scoped3A = tpu.sem_alloc : memref<!tpu.dma_semaphore, #tpu.memory_space<semaphore_mem>>
      %dma_start3A = tpu.memref_slice %arg2[%mul3A_2] : memref<16384xi32, #tpu.memory_space<hbm>> -> memref<512xi32, #tpu.memory_space<hbm>>
      %dma_start3A_23 = tpu.memref_slice %arg2[%mul3A_2] : memref<16384xi32, #tpu.memory_space<hbm>> -> memref<512xi32, #tpu.memory_space<hbm>>
      tpu.enqueue_dma source(%dma_start3A_23 : memref<512xi32, #tpu.memory_space<hbm>>) target(%arg8 : memref<512xi32, #tpu.memory_space<vmem>>) target_semaphore(%run_scoped3A : memref<!tpu.dma_semaphore, #tpu.memory_space<semaphore_mem>>)
      %dma_wait3A_24 = tpu.memref_slice %arg2[%mul3A_2] : memref<16384xi32, #tpu.memory_space<hbm>> -> memref<512xi32, #tpu.memory_space<hbm>>
      %dma_wait3A_25 = tpu.memref_slice %arg2[%mul3A_2] : memref<16384xi32, #tpu.memory_space<hbm>> -> memref<512xi32, #tpu.memory_space<hbm>>
      tpu.wait_dma2 semaphore(%run_scoped3A : memref<!tpu.dma_semaphore, #tpu.memory_space<semaphore_mem>>) src(%dma_wait3A_25 : memref<512xi32, #tpu.memory_space<hbm>>) dst(%arg8 : memref<512xi32, #tpu.memory_space<vmem>>)
      tpu.yield
    }) : () -> ()
    "tpu.region"() ({
      %run_scoped3A = tpu.sem_alloc : memref<!tpu.dma_semaphore, #tpu.memory_space<semaphore_mem>>
      %dma_start3A = tpu.memref_slice %arg3[%mul3A_2] : memref<16384xi32, #tpu.memory_space<hbm>> -> memref<512xi32, #tpu.memory_space<hbm>>
      %dma_start3A_23 = tpu.memref_slice %arg3[%mul3A_2] : memref<16384xi32, #tpu.memory_space<hbm>> -> memref<512xi32, #tpu.memory_space<hbm>>
      tpu.enqueue_dma source(%dma_start3A_23 : memref<512xi32, #tpu.memory_space<hbm>>) target(%arg9 : memref<512xi32, #tpu.memory_space<vmem>>) target_semaphore(%run_scoped3A : memref<!tpu.dma_semaphore, #tpu.memory_space<semaphore_mem>>)
      %dma_wait3A_24 = tpu.memref_slice %arg3[%mul3A_2] : memref<16384xi32, #tpu.memory_space<hbm>> -> memref<512xi32, #tpu.memory_space<hbm>>
      %dma_wait3A_25 = tpu.memref_slice %arg3[%mul3A_2] : memref<16384xi32, #tpu.memory_space<hbm>> -> memref<512xi32, #tpu.memory_space<hbm>>
      tpu.wait_dma2 semaphore(%run_scoped3A : memref<!tpu.dma_semaphore, #tpu.memory_space<semaphore_mem>>) src(%dma_wait3A_25 : memref<512xi32, #tpu.memory_space<hbm>>) dst(%arg9 : memref<512xi32, #tpu.memory_space<vmem>>)
      tpu.yield
    }) : () -> ()
    %scan3A = arith.constant 0 : i32
    %scan3A_3 = arith.constant 0 : i32
    %scan3A_4 = arith.constant 32 : i32
    %scan3A_5 = arith.addi %scan3A_3, %scan3A_4 : i32
    %scan3A_6 = arith.constant 1 : i32
    scf.for %scan3A_23 = %scan3A_3 to %scan3A_5 step %scan3A_6  : i32 {
      %mul3A_24 = arith.constant 16 : i32
      %mul3A_25 = arith.muli %scan3A_23, %mul3A_24 : i32
      %get3A = arith.index_cast %mul3A_25 : i32 to index
      %get3A_26 = tpu.vector_load %arg8[%get3A] {strides = array<i32>} : memref<512xi32, #tpu.memory_space<vmem>>, vector<16xi32>,
      %get3A_27 = vector.shape_cast %get3A_26 : vector<16xi32> to vector<16xi32>
      %get3A_28 = arith.index_cast %mul3A_25 : i32 to index
      %get3A_29 = tpu.vector_load %arg9[%get3A_28] {strides = array<i32>} : memref<512xi32, #tpu.memory_space<vmem>>, vector<16xi32>,
      %get3A_30 = vector.shape_cast %get3A_29 : vector<16xi32> to vector<16xi32>
      %mul3A_31 = arith.constant 8 : i32
      %mul3A_32 = arith.muli %scan3A_23, %mul3A_31 : i32
      %add3A_33 = arith.constant 0 : i32
      %add3A_34 = arith.addi %mul3A_32, %add3A_33 : i32
      %slice3A = vector.extract_strided_slice %get3A_27 {offsets = [0], sizes = [1], strides = [1]} : vector<16xi32> to vector<1xi32>
      %squeeze3A = vector.extract %slice3A[0] : i32 from vector<1xi32>
      %dma_start3A = arith.constant 0 : i32
      %dma_start3A_35 = tpu.memref_slice %arg10[%add3A_34, %dma_start3A] : memref<256x128xf32, #tpu.memory_space<vmem>> -> memref<1x64xf32, #tpu.memory_space<vmem>>
      %dma_start3A_36 = tpu.memref_squeeze %dma_start3A_35 : memref<1x64xf32, #tpu.memory_space<vmem>> -> memref<64xf32, #tpu.memory_space<vmem>>
      %dma_start3A_37 = arith.constant 0 : i32
      %dma_start3A_38 = tpu.memref_slice %arg4[%squeeze3A, %dma_start3A_37] : memref<1000001x64xf32, #tpu.memory_space<hbm>> -> memref<1x64xf32, #tpu.memory_space<hbm>>
      %dma_start3A_39 = tpu.memref_squeeze %dma_start3A_38 : memref<1x64xf32, #tpu.memory_space<hbm>> -> memref<64xf32, #tpu.memory_space<hbm>>
      %dma_start3A_40 = arith.constant 0 : i32
      %dma_start3A_41 = tpu.memref_slice %arg10[%add3A_34, %dma_start3A_40] : memref<256x128xf32, #tpu.memory_space<vmem>> -> memref<1x64xf32, #tpu.memory_space<vmem>>
      %dma_start3A_42 = tpu.memref_squeeze %dma_start3A_41 : memref<1x64xf32, #tpu.memory_space<vmem>> -> memref<64xf32, #tpu.memory_space<vmem>>
      %dma_start3A_43 = arith.constant 0 : i32
      %dma_start3A_44 = tpu.memref_slice %arg4[%squeeze3A, %dma_start3A_43] : memref<1000001x64xf32, #tpu.memory_space<hbm>> -> memref<1x64xf32, #tpu.memory_space<hbm>>
      %dma_start3A_45 = tpu.memref_squeeze %dma_start3A_44 : memref<1x64xf32, #tpu.memory_space<hbm>> -> memref<64xf32, #tpu.memory_space<hbm>>
      tpu.enqueue_dma source(%dma_start3A_45 : memref<64xf32, #tpu.memory_space<hbm>>) target(%dma_start3A_42 : memref<64xf32, #tpu.memory_space<vmem>>) target_semaphore(%arg12 : memref<!tpu.dma_semaphore, #tpu.memory_space<semaphore_mem>>)
      %slice3A_46 = vector.extract_strided_slice %get3A_30 {offsets = [0], sizes = [1], strides = [1]} : vector<16xi32> to vector<1xi32>
      %squeeze3A_47 = vector.extract %slice3A_46[0] : i32 from vector<1xi32>
      %dma_start3A_48 = arith.constant 0 : i32
      %dma_start3A_49 = tpu.memref_slice %arg11[%add3A_34, %dma_start3A_48] : memref<256x128xf32, #tpu.memory_space<vmem>> -> memref<1x64xf32, #tpu.memory_space<vmem>>
      %dma_start3A_50 = tpu.memref_squeeze %dma_start3A_49 : memref<1x64xf32, #tpu.memory_space<vmem>> -> memref<64xf32, #tpu.memory_space<vmem>>
      %dma_start3A_51 = arith.constant 0 : i32
      %dma_start3A_52 = tpu.memref_slice %arg5[%squeeze3A_47, %dma_start3A_51] : memref<1000000x64xf32, #tpu.memory_space<hbm>> -> memref<1x64xf32, #tpu.memory_space<hbm>>
      %dma_start3A_53 = tpu.memref_squeeze %dma_start3A_52 : memref<1x64xf32, #tpu.memory_space<hbm>> -> memref<64xf32, #tpu.memory_space<hbm>>
      %dma_start3A_54 = arith.constant 0 : i32
      %dma_start3A_55 = tpu.memref_slice %arg11[%add3A_34, %dma_start3A_54] : memref<256x128xf32, #tpu.memory_space<vmem>> -> memref<1x64xf32, #tpu.memory_space<vmem>>
      %dma_start3A_56 = tpu.memref_squeeze %dma_start3A_55 : memref<1x64xf32, #tpu.memory_space<vmem>> -> memref<64xf32, #tpu.memory_space<vmem>>
      %dma_start3A_57 = arith.constant 0 : i32
      %dma_start3A_58 = tpu.memref_slice %arg5[%squeeze3A_47, %dma_start3A_57] : memref<1000000x64xf32, #tpu.memory_space<hbm>> -> memref<1x64xf32, #tpu.memory_space<hbm>>
      %dma_start3A_59 = tpu.memref_squeeze %dma_start3A_58 : memref<1x64xf32, #tpu.memory_space<hbm>> -> memref<64xf32, #tpu.memory_space<hbm>>
      tpu.enqueue_dma source(%dma_start3A_59 : memref<64xf32, #tpu.memory_space<hbm>>) target(%dma_start3A_56 : memref<64xf32, #tpu.memory_space<vmem>>) target_semaphore(%arg12 : memref<!tpu.dma_semaphore, #tpu.memory_space<semaphore_mem>>)
      %mul3A_60 = arith.constant 8 : i32
      %mul3A_61 = arith.muli %scan3A_23, %mul3A_60 : i32
      %add3A_62 = arith.constant 0 : i32
      %add3A_63 = arith.addi %mul3A_61, %add3A_62 : i32
      %slice3A_64 = vector.extract_strided_slice %get3A_27 {offsets = [1], sizes = [1], strides = [1]} : vector<16xi32> to vector<1xi32>
      %squeeze3A_65 = vector.extract %slice3A_64[0] : i32 from vector<1xi32>
      %dma_start3A_66 = arith.constant 64 : i32
      %dma_start3A_67 = tpu.memref_slice %arg10[%add3A_63, %dma_start3A_66] : memref<256x128xf32, #tpu.memory_space<vmem>> -> memref<1x64xf32, #tpu.memory_space<vmem>>
      %dma_start3A_68 = tpu.memref_squeeze %dma_start3A_67 : memref<1x64xf32, #tpu.memory_space<vmem>> -> memref<64xf32, #tpu.memory_space<vmem>>
      %dma_start3A_69 = arith.constant 0 : i32
      %dma_start3A_70 = tpu.memref_slice %arg4[%squeeze3A_65, %dma_start3A_69] : memref<1000001x64xf32, #tpu.memory_space<hbm>> -> memref<1x64xf32, #tpu.memory_space<hbm>>
      %dma_start3A_71 = tpu.memref_squeeze %dma_start3A_70 : memref<1x64xf32, #tpu.memory_space<hbm>> -> memref<64xf32, #tpu.memory_space<hbm>>
      %dma_start3A_72 = arith.constant 64 : i32
      %dma_start3A_73 = tpu.memref_slice %arg10[%add3A_63, %dma_start3A_72] : memref<256x128xf32, #tpu.memory_space<vmem>> -> memref<1x64xf32, #tpu.memory_space<vmem>>
      %dma_start3A_74 = tpu.memref_squeeze %dma_start3A_73 : memref<1x64xf32, #tpu.memory_space<vmem>> -> memref<64xf32, #tpu.memory_space<vmem>>
      %dma_start3A_75 = arith.constant 0 : i32
      %dma_start3A_76 = tpu.memref_slice %arg4[%squeeze3A_65, %dma_start3A_75] : memref<1000001x64xf32, #tpu.memory_space<hbm>> -> memref<1x64xf32, #tpu.memory_space<hbm>>
      %dma_start3A_77 = tpu.memref_squeeze %dma_start3A_76 : memref<1x64xf32, #tpu.memory_space<hbm>> -> memref<64xf32, #tpu.memory_space<hbm>>
      tpu.enqueue_dma source(%dma_start3A_77 : memref<64xf32, #tpu.memory_space<hbm>>) target(%dma_start3A_74 : memref<64xf32, #tpu.memory_space<vmem>>) target_semaphore(%arg12 : memref<!tpu.dma_semaphore, #tpu.memory_space<semaphore_mem>>)
      %slice3A_78 = vector.extract_strided_slice %get3A_30 {offsets = [1], sizes = [1], strides = [1]} : vector<16xi32> to vector<1xi32>
      %squeeze3A_79 = vector.extract %slice3A_78[0] : i32 from vector<1xi32>
      %dma_start3A_80 = arith.constant 64 : i32
      %dma_start3A_81 = tpu.memref_slice %arg11[%add3A_63, %dma_start3A_80] : memref<256x128xf32, #tpu.memory_space<vmem>> -> memref<1x64xf32, #tpu.memory_space<vmem>>
      %dma_start3A_82 = tpu.memref_squeeze %dma_start3A_81 : memref<1x64xf32, #tpu.memory_space<vmem>> -> memref<64xf32, #tpu.memory_space<vmem>>
      %dma_start3A_83 = arith.constant 0 : i32
      %dma_start3A_84 = tpu.memref_slice %arg5[%squeeze3A_79, %dma_start3A_83] : memref<1000000x64xf32, #tpu.memory_space<hbm>> -> memref<1x64xf32, #tpu.memory_space<hbm>>
      %dma_start3A_85 = tpu.memref_squeeze %dma_start3A_84 : memref<1x64xf32, #tpu.memory_space<hbm>> -> memref<64xf32, #tpu.memory_space<hbm>>
      %dma_start3A_86 = arith.constant 64 : i32
      %dma_start3A_87 = tpu.memref_slice %arg11[%add3A_63, %dma_start3A_86] : memref<256x128xf32, #tpu.memory_space<vmem>> -> memref<1x64xf32, #tpu.memory_space<vmem>>
      %dma_start3A_88 = tpu.memref_squeeze %dma_start3A_87 : memref<1x64xf32, #tpu.memory_space<vmem>> -> memref<64xf32, #tpu.memory_space<vmem>>
      %dma_start3A_89 = arith.constant 0 : i32
      %dma_start3A_90 = tpu.memref_slice %arg5[%squeeze3A_79, %dma_start3A_89] : memref<1000000x64xf32, #tpu.memory_space<hbm>> -> memref<1x64xf32, #tpu.memory_space<hbm>>
      %dma_start3A_91 = tpu.memref_squeeze %dma_start3A_90 : memref<1x64xf32, #tpu.memory_space<hbm>> -> memref<64xf32, #tpu.memory_space<hbm>>
      tpu.enqueue_dma source(%dma_start3A_91 : memref<64xf32, #tpu.memory_space<hbm>>) target(%dma_start3A_88 : memref<64xf32, #tpu.memory_space<vmem>>) target_semaphore(%arg12 : memref<!tpu.dma_semaphore, #tpu.memory_space<semaphore_mem>>)
      %mul3A_92 = arith.constant 8 : i32
      %mul3A_93 = arith.muli %scan3A_23, %mul3A_92 : i32
      %add3A_94 = arith.constant 1 : i32
      %add3A_95 = arith.addi %mul3A_93, %add3A_94 : i32
      %slice3A_96 = vector.extract_strided_slice %get3A_27 {offsets = [2], sizes = [1], strides = [1]} : vector<16xi32> to vector<1xi32>
      %squeeze3A_97 = vector.extract %slice3A_96[0] : i32 from vector<1xi32>
      %dma_start3A_98 = arith.constant 0 : i32
      %dma_start3A_99 = tpu.memref_slice %arg10[%add3A_95, %dma_start3A_98] : memref<256x128xf32, #tpu.memory_space<vmem>> -> memref<1x64xf32, #tpu.memory_space<vmem>>
      %dma_start3A_100 = tpu.memref_squeeze %dma_start3A_99 : memref<1x64xf32, #tpu.memory_space<vmem>> -> memref<64xf32, #tpu.memory_space<vmem>>
      %dma_start3A_101 = arith.constant 0 : i32
      %dma_start3A_102 = tpu.memref_slice %arg4[%squeeze3A_97, %dma_start3A_101] : memref<1000001x64xf32, #tpu.memory_space<hbm>> -> memref<1x64xf32, #tpu.memory_space<hbm>>
      %dma_start3A_103 = tpu.memref_squeeze %dma_start3A_102 : memref<1x64xf32, #tpu.memory_space<hbm>> -> memref<64xf32, #tpu.memory_space<hbm>>
      %dma_start3A_104 = arith.constant 0 : i32
      %dma_start3A_105 = tpu.memref_slice %arg10[%add3A_95, %dma_start3A_104] : memref<256x128xf32, #tpu.memory_space<vmem>> -> memref<1x64xf32, #tpu.memory_space<vmem>>
      %dma_start3A_106 = tpu.memref_squeeze %dma_start3A_105 : memref<1x64xf32, #tpu.memory_space<vmem>> -> memref<64xf32, #tpu.memory_space<vmem>>
      %dma_start3A_107 = arith.constant 0 : i32
      %dma_start3A_108 = tpu.memref_slice %arg4[%squeeze3A_97, %dma_start3A_107] : memref<1000001x64xf32, #tpu.memory_space<hbm>> -> memref<1x64xf32, #tpu.memory_space<hbm>>
      %dma_start3A_109 = tpu.memref_squeeze %dma_start3A_108 : memref<1x64xf32, #tpu.memory_space<hbm>> -> memref<64xf32, #tpu.memory_space<hbm>>
      tpu.enqueue_dma source(%dma_start3A_109 : memref<64xf32, #tpu.memory_space<hbm>>) target(%dma_start3A_106 : memref<64xf32, #tpu.memory_space<vmem>>) target_semaphore(%arg12 : memref<!tpu.dma_semaphore, #tpu.memory_space<semaphore_mem>>)
      %slice3A_110 = vector.extract_strided_slice %get3A_30 {offsets = [2], sizes = [1], strides = [1]} : vector<16xi32> to vector<1xi32>
      %squeeze3A_111 = vector.extract %slice3A_110[0] : i32 from vector<1xi32>
      %dma_start3A_112 = arith.constant 0 : i32
      %dma_start3A_113 = tpu.memref_slice %arg11[%add3A_95, %dma_start3A_112] : memref<256x128xf32, #tpu.memory_space<vmem>> -> memref<1x64xf32, #tpu.memory_space<vmem>>
      %dma_start3A_114 = tpu.memref_squeeze %dma_start3A_113 : memref<1x64xf32, #tpu.memory_space<vmem>> -> memref<64xf32, #tpu.memory_space<vmem>>
      %dma_start3A_115 = arith.constant 0 : i32
      %dma_start3A_116 = tpu.memref_slice %arg5[%squeeze3A_111, %dma_start3A_115] : memref<1000000x64xf32, #tpu.memory_space<hbm>> -> memref<1x64xf32, #tpu.memory_space<hbm>>
      %dma_start3A_117 = tpu.memref_squeeze %dma_start3A_116 : memref<1x64xf32, #tpu.memory_space<hbm>> -> memref<64xf32, #tpu.memory_space<hbm>>
      %dma_start3A_118 = arith.constant 0 : i32
      %dma_start3A_119 = tpu.memref_slice %arg11[%add3A_95, %dma_start3A_118] : memref<256x128xf32, #tpu.memory_space<vmem>> -> memref<1x64xf32, #tpu.memory_space<vmem>>
      %dma_start3A_120 = tpu.memref_squeeze %dma_start3A_119 : memref<1x64xf32, #tpu.memory_space<vmem>> -> memref<64xf32, #tpu.memory_space<vmem>>
      %dma_start3A_121 = arith.constant 0 : i32
      %dma_start3A_122 = tpu.memref_slice %arg5[%squeeze3A_111, %dma_start3A_121] : memref<1000000x64xf32, #tpu.memory_space<hbm>> -> memref<1x64xf32, #tpu.memory_space<hbm>>
      %dma_start3A_123 = tpu.memref_squeeze %dma_start3A_122 : memref<1x64xf32, #tpu.memory_space<hbm>> -> memref<64xf32, #tpu.memory_space<hbm>>
      tpu.enqueue_dma source(%dma_start3A_123 : memref<64xf32, #tpu.memory_space<hbm>>) target(%dma_start3A_120 : memref<64xf32, #tpu.memory_space<vmem>>) target_semaphore(%arg12 : memref<!tpu.dma_semaphore, #tpu.memory_space<semaphore_mem>>)
      %mul3A_124 = arith.constant 8 : i32
      %mul3A_125 = arith.muli %scan3A_23, %mul3A_124 : i32
      %add3A_126 = arith.constant 1 : i32
      %add3A_127 = arith.addi %mul3A_125, %add3A_126 : i32
      %slice3A_128 = vector.extract_strided_slice %get3A_27 {offsets = [3], sizes = [1], strides = [1]} : vector<16xi32> to vector<1xi32>
      %squeeze3A_129 = vector.extract %slice3A_128[0] : i32 from vector<1xi32>
      %dma_start3A_130 = arith.constant 64 : i32
      %dma_start3A_131 = tpu.memref_slice %arg10[%add3A_127, %dma_start3A_130] : memref<256x128xf32, #tpu.memory_space<vmem>> -> memref<1x64xf32, #tpu.memory_space<vmem>>
      %dma_start3A_132 = tpu.memref_squeeze %dma_start3A_131 : memref<1x64xf32, #tpu.memory_space<vmem>> -> memref<64xf32, #tpu.memory_space<vmem>>
      %dma_start3A_133 = arith.constant 0 : i32
      %dma_start3A_134 = tpu.memref_slice %arg4[%squeeze3A_129, %dma_start3A_133] : memref<1000001x64xf32, #tpu.memory_space<hbm>> -> memref<1x64xf32, #tpu.memory_space<hbm>>
      %dma_start3A_135 = tpu.memref_squeeze %dma_start3A_134 : memref<1x64xf32, #tpu.memory_space<hbm>> -> memref<64xf32, #tpu.memory_space<hbm>>
      %dma_start3A_136 = arith.constant 64 : i32
      %dma_start3A_137 = tpu.memref_slice %arg10[%add3A_127, %dma_start3A_136] : memref<256x128xf32, #tpu.memory_space<vmem>> -> memref<1x64xf32, #tpu.memory_space<vmem>>
      %dma_start3A_138 = tpu.memref_squeeze %dma_start3A_137 : memref<1x64xf32, #tpu.memory_space<vmem>> -> memref<64xf32, #tpu.memory_space<vmem>>
      %dma_start3A_139 = arith.constant 0 : i32
      %dma_start3A_140 = tpu.memref_slice %arg4[%squeeze3A_129, %dma_start3A_139] : memref<1000001x64xf32, #tpu.memory_space<hbm>> -> memref<1x64xf32, #tpu.memory_space<hbm>>
      %dma_start3A_141 = tpu.memref_squeeze %dma_start3A_140 : memref<1x64xf32, #tpu.memory_space<hbm>> -> memref<64xf32, #tpu.memory_space<hbm>>
      tpu.enqueue_dma source(%dma_start3A_141 : memref<64xf32, #tpu.memory_space<hbm>>) target(%dma_start3A_138 : memref<64xf32, #tpu.memory_space<vmem>>) target_semaphore(%arg12 : memref<!tpu.dma_semaphore, #tpu.memory_space<semaphore_mem>>)
      %slice3A_142 = vector.extract_strided_slice %get3A_30 {offsets = [3], sizes = [1], strides = [1]} : vector<16xi32> to vector<1xi32>
      %squeeze3A_143 = vector.extract %slice3A_142[0] : i32 from vector<1xi32>
      %dma_start3A_144 = arith.constant 64 : i32
      %dma_start3A_145 = tpu.memref_slice %arg11[%add3A_127, %dma_start3A_144] : memref<256x128xf32, #tpu.memory_space<vmem>> -> memref<1x64xf32, #tpu.memory_space<vmem>>
      %dma_start3A_146 = tpu.memref_squeeze %dma_start3A_145 : memref<1x64xf32, #tpu.memory_space<vmem>> -> memref<64xf32, #tpu.memory_space<vmem>>
      %dma_start3A_147 = arith.constant 0 : i32
      %dma_start3A_148 = tpu.memref_slice %arg5[%squeeze3A_143, %dma_start3A_147] : memref<1000000x64xf32, #tpu.memory_space<hbm>> -> memref<1x64xf32, #tpu.memory_space<hbm>>
      %dma_start3A_149 = tpu.memref_squeeze %dma_start3A_148 : memref<1x64xf32, #tpu.memory_space<hbm>> -> memref<64xf32, #tpu.memory_space<hbm>>
      %dma_start3A_150 = arith.constant 64 : i32
      %dma_start3A_151 = tpu.memref_slice %arg11[%add3A_127, %dma_start3A_150] : memref<256x128xf32, #tpu.memory_space<vmem>> -> memref<1x64xf32, #tpu.memory_space<vmem>>
      %dma_start3A_152 = tpu.memref_squeeze %dma_start3A_151 : memref<1x64xf32, #tpu.memory_space<vmem>> -> memref<64xf32, #tpu.memory_space<vmem>>
      %dma_start3A_153 = arith.constant 0 : i32
      %dma_start3A_154 = tpu.memref_slice %arg5[%squeeze3A_143, %dma_start3A_153] : memref<1000000x64xf32, #tpu.memory_space<hbm>> -> memref<1x64xf32, #tpu.memory_space<hbm>>
      %dma_start3A_155 = tpu.memref_squeeze %dma_start3A_154 : memref<1x64xf32, #tpu.memory_space<hbm>> -> memref<64xf32, #tpu.memory_space<hbm>>
      tpu.enqueue_dma source(%dma_start3A_155 : memref<64xf32, #tpu.memory_space<hbm>>) target(%dma_start3A_152 : memref<64xf32, #tpu.memory_space<vmem>>) target_semaphore(%arg12 : memref<!tpu.dma_semaphore, #tpu.memory_space<semaphore_mem>>)
      %mul3A_156 = arith.constant 8 : i32
      %mul3A_157 = arith.muli %scan3A_23, %mul3A_156 : i32
      %add3A_158 = arith.constant 2 : i32
      %add3A_159 = arith.addi %mul3A_157, %add3A_158 : i32
      %slice3A_160 = vector.extract_strided_slice %get3A_27 {offsets = [4], sizes = [1], strides = [1]} : vector<16xi32> to vector<1xi32>
      %squeeze3A_161 = vector.extract %slice3A_160[0] : i32 from vector<1xi32>
      %dma_start3A_162 = arith.constant 0 : i32
      %dma_start3A_163 = tpu.memref_slice %arg10[%add3A_159, %dma_start3A_162] : memref<256x128xf32, #tpu.memory_space<vmem>> -> memref<1x64xf32, #tpu.memory_space<vmem>>
      %dma_start3A_164 = tpu.memref_squeeze %dma_start3A_163 : memref<1x64xf32, #tpu.memory_space<vmem>> -> memref<64xf32, #tpu.memory_space<vmem>>
      %dma_start3A_165 = arith.constant 0 : i32
      %dma_start3A_166 = tpu.memref_slice %arg4[%squeeze3A_161, %dma_start3A_165] : memref<1000001x64xf32, #tpu.memory_space<hbm>> -> memref<1x64xf32, #tpu.memory_space<hbm>>
      %dma_start3A_167 = tpu.memref_squeeze %dma_start3A_166 : memref<1x64xf32, #tpu.memory_space<hbm>> -> memref<64xf32, #tpu.memory_space<hbm>>
      %dma_start3A_168 = arith.constant 0 : i32
      %dma_start3A_169 = tpu.memref_slice %arg10[%add3A_159, %dma_start3A_168] : memref<256x128xf32, #tpu.memory_space<vmem>> -> memref<1x64xf32, #tpu.memory_space<vmem>>
      %dma_start3A_170 = tpu.memref_squeeze %dma_start3A_169 : memref<1x64xf32, #tpu.memory_space<vmem>> -> memref<64xf32, #tpu.memory_space<vmem>>
      %dma_start3A_171 = arith.constant 0 : i32
      %dma_start3A_172 = tpu.memref_slice %arg4[%squeeze3A_161, %dma_start3A_171] : memref<1000001x64xf32, #tpu.memory_space<hbm>> -> memref<1x64xf32, #tpu.memory_space<hbm>>
      %dma_start3A_173 = tpu.memref_squeeze %dma_start3A_172 : memref<1x64xf32, #tpu.memory_space<hbm>> -> memref<64xf32, #tpu.memory_space<hbm>>
      tpu.enqueue_dma source(%dma_start3A_173 : memref<64xf32, #tpu.memory_space<hbm>>) target(%dma_start3A_170 : memref<64xf32, #tpu.memory_space<vmem>>) target_semaphore(%arg12 : memref<!tpu.dma_semaphore, #tpu.memory_space<semaphore_mem>>)
      %slice3A_174 = vector.extract_strided_slice %get3A_30 {offsets = [4], sizes = [1], strides = [1]} : vector<16xi32> to vector<1xi32>
      %squeeze3A_175 = vector.extract %slice3A_174[0] : i32 from vector<1xi32>
      %dma_start3A_176 = arith.constant 0 : i32
      %dma_start3A_177 = tpu.memref_slice %arg11[%add3A_159, %dma_start3A_176] : memref<256x128xf32, #tpu.memory_space<vmem>> -> memref<1x64xf32, #tpu.memory_space<vmem>>
      %dma_start3A_178 = tpu.memref_squeeze %dma_start3A_177 : memref<1x64xf32, #tpu.memory_space<vmem>> -> memref<64xf32, #tpu.memory_space<vmem>>
      %dma_start3A_179 = arith.constant 0 : i32
      %dma_start3A_180 = tpu.memref_slice %arg5[%squeeze3A_175, %dma_start3A_179] : memref<1000000x64xf32, #tpu.memory_space<hbm>> -> memref<1x64xf32, #tpu.memory_space<hbm>>
      %dma_start3A_181 = tpu.memref_squeeze %dma_start3A_180 : memref<1x64xf32, #tpu.memory_space<hbm>> -> memref<64xf32, #tpu.memory_space<hbm>>
      %dma_start3A_182 = arith.constant 0 : i32
      %dma_start3A_183 = tpu.memref_slice %arg11[%add3A_159, %dma_start3A_182] : memref<256x128xf32, #tpu.memory_space<vmem>> -> memref<1x64xf32, #tpu.memory_space<vmem>>
      %dma_start3A_184 = tpu.memref_squeeze %dma_start3A_183 : memref<1x64xf32, #tpu.memory_space<vmem>> -> memref<64xf32, #tpu.memory_space<vmem>>
      %dma_start3A_185 = arith.constant 0 : i32
      %dma_start3A_186 = tpu.memref_slice %arg5[%squeeze3A_175, %dma_start3A_185] : memref<1000000x64xf32, #tpu.memory_space<hbm>> -> memref<1x64xf32, #tpu.memory_space<hbm>>
      %dma_start3A_187 = tpu.memref_squeeze %dma_start3A_186 : memref<1x64xf32, #tpu.memory_space<hbm>> -> memref<64xf32, #tpu.memory_space<hbm>>
      tpu.enqueue_dma source(%dma_start3A_187 : memref<64xf32, #tpu.memory_space<hbm>>) target(%dma_start3A_184 : memref<64xf32, #tpu.memory_space<vmem>>) target_semaphore(%arg12 : memref<!tpu.dma_semaphore, #tpu.memory_space<semaphore_mem>>)
      %mul3A_188 = arith.constant 8 : i32
      %mul3A_189 = arith.muli %scan3A_23, %mul3A_188 : i32
      %add3A_190 = arith.constant 2 : i32
      %add3A_191 = arith.addi %mul3A_189, %add3A_190 : i32
      %slice3A_192 = vector.extract_strided_slice %get3A_27 {offsets = [5], sizes = [1], strides = [1]} : vector<16xi32> to vector<1xi32>
      %squeeze3A_193 = vector.extract %slice3A_192[0] : i32 from vector<1xi32>
      %dma_start3A_194 = arith.constant 64 : i32
      %dma_start3A_195 = tpu.memref_slice %arg10[%add3A_191, %dma_start3A_194] : memref<256x128xf32, #tpu.memory_space<vmem>> -> memref<1x64xf32, #tpu.memory_space<vmem>>
      %dma_start3A_196 = tpu.memref_squeeze %dma_start3A_195 : memref<1x64xf32, #tpu.memory_space<vmem>> -> memref<64xf32, #tpu.memory_space<vmem>>
      %dma_start3A_197 = arith.constant 0 : i32
      %dma_start3A_198 = tpu.memref_slice %arg4[%squeeze3A_193, %dma_start3A_197] : memref<1000001x64xf32, #tpu.memory_space<hbm>> -> memref<1x64xf32, #tpu.memory_space<hbm>>
      %dma_start3A_199 = tpu.memref_squeeze %dma_start3A_198 : memref<1x64xf32, #tpu.memory_space<hbm>> -> memref<64xf32, #tpu.memory_space<hbm>>
      %dma_start3A_200 = arith.constant 64 : i32
      %dma_start3A_201 = tpu.memref_slice %arg10[%add3A_191, %dma_start3A_200] : memref<256x128xf32, #tpu.memory_space<vmem>> -> memref<1x64xf32, #tpu.memory_space<vmem>>
      %dma_start3A_202 = tpu.memref_squeeze %dma_start3A_201 : memref<1x64xf32, #tpu.memory_space<vmem>> -> memref<64xf32, #tpu.memory_space<vmem>>
      %dma_start3A_203 = arith.constant 0 : i32
      %dma_start3A_204 = tpu.memref_slice %arg4[%squeeze3A_193, %dma_start3A_203] : memref<1000001x64xf32, #tpu.memory_space<hbm>> -> memref<1x64xf32, #tpu.memory_space<hbm>>
      %dma_start3A_205 = tpu.memref_squeeze %dma_start3A_204 : memref<1x64xf32, #tpu.memory_space<hbm>> -> memref<64xf32, #tpu.memory_space<hbm>>
      tpu.enqueue_dma source(%dma_start3A_205 : memref<64xf32, #tpu.memory_space<hbm>>) target(%dma_start3A_202 : memref<64xf32, #tpu.memory_space<vmem>>) target_semaphore(%arg12 : memref<!tpu.dma_semaphore, #tpu.memory_space<semaphore_mem>>)
      %slice3A_206 = vector.extract_strided_slice %get3A_30 {offsets = [5], sizes = [1], strides = [1]} : vector<16xi32> to vector<1xi32>
      %squeeze3A_207 = vector.extract %slice3A_206[0] : i32 from vector<1xi32>
      %dma_start3A_208 = arith.constant 64 : i32
      %dma_start3A_209 = tpu.memref_slice %arg11[%add3A_191, %dma_start3A_208] : memref<256x128xf32, #tpu.memory_space<vmem>> -> memref<1x64xf32, #tpu.memory_space<vmem>>
      %dma_start3A_210 = tpu.memref_squeeze %dma_start3A_209 : memref<1x64xf32, #tpu.memory_space<vmem>> -> memref<64xf32, #tpu.memory_space<vmem>>
      %dma_start3A_211 = arith.constant 0 : i32
      %dma_start3A_212 = tpu.memref_slice %arg5[%squeeze3A_207, %dma_start3A_211] : memref<1000000x64xf32, #tpu.memory_space<hbm>> -> memref<1x64xf32, #tpu.memory_space<hbm>>
      %dma_start3A_213 = tpu.memref_squeeze %dma_start3A_212 : memref<1x64xf32, #tpu.memory_space<hbm>> -> memref<64xf32, #tpu.memory_space<hbm>>
      %dma_start3A_214 = arith.constant 64 : i32
      %dma_start3A_215 = tpu.memref_slice %arg11[%add3A_191, %dma_start3A_214] : memref<256x128xf32, #tpu.memory_space<vmem>> -> memref<1x64xf32, #tpu.memory_space<vmem>>
      %dma_start3A_216 = tpu.memref_squeeze %dma_start3A_215 : memref<1x64xf32, #tpu.memory_space<vmem>> -> memref<64xf32, #tpu.memory_space<vmem>>
      %dma_start3A_217 = arith.constant 0 : i32
      %dma_start3A_218 = tpu.memref_slice %arg5[%squeeze3A_207, %dma_start3A_217] : memref<1000000x64xf32, #tpu.memory_space<hbm>> -> memref<1x64xf32, #tpu.memory_space<hbm>>
      %dma_start3A_219 = tpu.memref_squeeze %dma_start3A_218 : memref<1x64xf32, #tpu.memory_space<hbm>> -> memref<64xf32, #tpu.memory_space<hbm>>
      tpu.enqueue_dma source(%dma_start3A_219 : memref<64xf32, #tpu.memory_space<hbm>>) target(%dma_start3A_216 : memref<64xf32, #tpu.memory_space<vmem>>) target_semaphore(%arg12 : memref<!tpu.dma_semaphore, #tpu.memory_space<semaphore_mem>>)
      %mul3A_220 = arith.constant 8 : i32
      %mul3A_221 = arith.muli %scan3A_23, %mul3A_220 : i32
      %add3A_222 = arith.constant 3 : i32
      %add3A_223 = arith.addi %mul3A_221, %add3A_222 : i32
      %slice3A_224 = vector.extract_strided_slice %get3A_27 {offsets = [6], sizes = [1], strides = [1]} : vector<16xi32> to vector<1xi32>
      %squeeze3A_225 = vector.extract %slice3A_224[0] : i32 from vector<1xi32>
      %dma_start3A_226 = arith.constant 0 : i32
      %dma_start3A_227 = tpu.memref_slice %arg10[%add3A_223, %dma_start3A_226] : memref<256x128xf32, #tpu.memory_space<vmem>> -> memref<1x64xf32, #tpu.memory_space<vmem>>
      %dma_start3A_228 = tpu.memref_squeeze %dma_start3A_227 : memref<1x64xf32, #tpu.memory_space<vmem>> -> memref<64xf32, #tpu.memory_space<vmem>>
      %dma_start3A_229 = arith.constant 0 : i32
      %dma_start3A_230 = tpu.memref_slice %arg4[%squeeze3A_225, %dma_start3A_229] : memref<1000001x64xf32, #tpu.memory_space<hbm>> -> memref<1x64xf32, #tpu.memory_space<hbm>>
      %dma_start3A_231 = tpu.memref_squeeze %dma_start3A_230 : memref<1x64xf32, #tpu.memory_space<hbm>> -> memref<64xf32, #tpu.memory_space<hbm>>
      %dma_start3A_232 = arith.constant 0 : i32
      %dma_start3A_233 = tpu.memref_slice %arg10[%add3A_223, %dma_start3A_232] : memref<256x128xf32, #tpu.memory_space<vmem>> -> memref<1x64xf32, #tpu.memory_space<vmem>>
      %dma_start3A_234 = tpu.memref_squeeze %dma_start3A_233 : memref<1x64xf32, #tpu.memory_space<vmem>> -> memref<64xf32, #tpu.memory_space<vmem>>
      %dma_start3A_235 = arith.constant 0 : i32
      %dma_start3A_236 = tpu.memref_slice %arg4[%squeeze3A_225, %dma_start3A_235] : memref<1000001x64xf32, #tpu.memory_space<hbm>> -> memref<1x64xf32, #tpu.memory_space<hbm>>
      %dma_start3A_237 = tpu.memref_squeeze %dma_start3A_236 : memref<1x64xf32, #tpu.memory_space<hbm>> -> memref<64xf32, #tpu.memory_space<hbm>>
      tpu.enqueue_dma source(%dma_start3A_237 : memref<64xf32, #tpu.memory_space<hbm>>) target(%dma_start3A_234 : memref<64xf32, #tpu.memory_space<vmem>>) target_semaphore(%arg12 : memref<!tpu.dma_semaphore, #tpu.memory_space<semaphore_mem>>)
      %slice3A_238 = vector.extract_strided_slice %get3A_30 {offsets = [6], sizes = [1], strides = [1]} : vector<16xi32> to vector<1xi32>
      %squeeze3A_239 = vector.extract %slice3A_238[0] : i32 from vector<1xi32>
      %dma_start3A_240 = arith.constant 0 : i32
      %dma_start3A_241 = tpu.memref_slice %arg11[%add3A_223, %dma_start3A_240] : memref<256x128xf32, #tpu.memory_space<vmem>> -> memref<1x64xf32, #tpu.memory_space<vmem>>
      %dma_start3A_242 = tpu.memref_squeeze %dma_start3A_241 : memref<1x64xf32, #tpu.memory_space<vmem>> -> memref<64xf32, #tpu.memory_space<vmem>>
      %dma_start3A_243 = arith.constant 0 : i32
      %dma_start3A_244 = tpu.memref_slice %arg5[%squeeze3A_239, %dma_start3A_243] : memref<1000000x64xf32, #tpu.memory_space<hbm>> -> memref<1x64xf32, #tpu.memory_space<hbm>>
      %dma_start3A_245 = tpu.memref_squeeze %dma_start3A_244 : memref<1x64xf32, #tpu.memory_space<hbm>> -> memref<64xf32, #tpu.memory_space<hbm>>
      %dma_start3A_246 = arith.constant 0 : i32
      %dma_start3A_247 = tpu.memref_slice %arg11[%add3A_223, %dma_start3A_246] : memref<256x128xf32, #tpu.memory_space<vmem>> -> memref<1x64xf32, #tpu.memory_space<vmem>>
      %dma_start3A_248 = tpu.memref_squeeze %dma_start3A_247 : memref<1x64xf32, #tpu.memory_space<vmem>> -> memref<64xf32, #tpu.memory_space<vmem>>
      %dma_start3A_249 = arith.constant 0 : i32
      %dma_start3A_250 = tpu.memref_slice %arg5[%squeeze3A_239, %dma_start3A_249] : memref<1000000x64xf32, #tpu.memory_space<hbm>> -> memref<1x64xf32, #tpu.memory_space<hbm>>
      %dma_start3A_251 = tpu.memref_squeeze %dma_start3A_250 : memref<1x64xf32, #tpu.memory_space<hbm>> -> memref<64xf32, #tpu.memory_space<hbm>>
      tpu.enqueue_dma source(%dma_start3A_251 : memref<64xf32, #tpu.memory_space<hbm>>) target(%dma_start3A_248 : memref<64xf32, #tpu.memory_space<vmem>>) target_semaphore(%arg12 : memref<!tpu.dma_semaphore, #tpu.memory_space<semaphore_mem>>)
      %mul3A_252 = arith.constant 8 : i32
      %mul3A_253 = arith.muli %scan3A_23, %mul3A_252 : i32
      %add3A_254 = arith.constant 3 : i32
      %add3A_255 = arith.addi %mul3A_253, %add3A_254 : i32
      %slice3A_256 = vector.extract_strided_slice %get3A_27 {offsets = [7], sizes = [1], strides = [1]} : vector<16xi32> to vector<1xi32>
      %squeeze3A_257 = vector.extract %slice3A_256[0] : i32 from vector<1xi32>
      %dma_start3A_258 = arith.constant 64 : i32
      %dma_start3A_259 = tpu.memref_slice %arg10[%add3A_255, %dma_start3A_258] : memref<256x128xf32, #tpu.memory_space<vmem>> -> memref<1x64xf32, #tpu.memory_space<vmem>>
      %dma_start3A_260 = tpu.memref_squeeze %dma_start3A_259 : memref<1x64xf32, #tpu.memory_space<vmem>> -> memref<64xf32, #tpu.memory_space<vmem>>
      %dma_start3A_261 = arith.constant 0 : i32
      %dma_start3A_262 = tpu.memref_slice %arg4[%squeeze3A_257, %dma_start3A_261] : memref<1000001x64xf32, #tpu.memory_space<hbm>> -> memref<1x64xf32, #tpu.memory_space<hbm>>
      %dma_start3A_263 = tpu.memref_squeeze %dma_start3A_262 : memref<1x64xf32, #tpu.memory_space<hbm>> -> memref<64xf32, #tpu.memory_space<hbm>>
      %dma_start3A_264 = arith.constant 64 : i32
      %dma_start3A_265 = tpu.memref_slice %arg10[%add3A_255, %dma_start3A_264] : memref<256x128xf32, #tpu.memory_space<vmem>> -> memref<1x64xf32, #tpu.memory_space<vmem>>
      %dma_start3A_266 = tpu.memref_squeeze %dma_start3A_265 : memref<1x64xf32, #tpu.memory_space<vmem>> -> memref<64xf32, #tpu.memory_space<vmem>>
      %dma_start3A_267 = arith.constant 0 : i32
      %dma_start3A_268 = tpu.memref_slice %arg4[%squeeze3A_257, %dma_start3A_267] : memref<1000001x64xf32, #tpu.memory_space<hbm>> -> memref<1x64xf32, #tpu.memory_space<hbm>>
      %dma_start3A_269 = tpu.memref_squeeze %dma_start3A_268 : memref<1x64xf32, #tpu.memory_space<hbm>> -> memref<64xf32, #tpu.memory_space<hbm>>
      tpu.enqueue_dma source(%dma_start3A_269 : memref<64xf32, #tpu.memory_space<hbm>>) target(%dma_start3A_266 : memref<64xf32, #tpu.memory_space<vmem>>) target_semaphore(%arg12 : memref<!tpu.dma_semaphore, #tpu.memory_space<semaphore_mem>>)
      %slice3A_270 = vector.extract_strided_slice %get3A_30 {offsets = [7], sizes = [1], strides = [1]} : vector<16xi32> to vector<1xi32>
      %squeeze3A_271 = vector.extract %slice3A_270[0] : i32 from vector<1xi32>
      %dma_start3A_272 = arith.constant 64 : i32
      %dma_start3A_273 = tpu.memref_slice %arg11[%add3A_255, %dma_start3A_272] : memref<256x128xf32, #tpu.memory_space<vmem>> -> memref<1x64xf32, #tpu.memory_space<vmem>>
      %dma_start3A_274 = tpu.memref_squeeze %dma_start3A_273 : memref<1x64xf32, #tpu.memory_space<vmem>> -> memref<64xf32, #tpu.memory_space<vmem>>
      %dma_start3A_275 = arith.constant 0 : i32
      %dma_start3A_276 = tpu.memref_slice %arg5[%squeeze3A_271, %dma_start3A_275] : memref<1000000x64xf32, #tpu.memory_space<hbm>> -> memref<1x64xf32, #tpu.memory_space<hbm>>
      %dma_start3A_277 = tpu.memref_squeeze %dma_start3A_276 : memref<1x64xf32, #tpu.memory_space<hbm>> -> memref<64xf32, #tpu.memory_space<hbm>>
      %dma_start3A_278 = arith.constant 64 : i32
      %dma_start3A_279 = tpu.memref_slice %arg11[%add3A_255, %dma_start3A_278] : memref<256x128xf32, #tpu.memory_space<vmem>> -> memref<1x64xf32, #tpu.memory_space<vmem>>
      %dma_start3A_280 = tpu.memref_squeeze %dma_start3A_279 : memref<1x64xf32, #tpu.memory_space<vmem>> -> memref<64xf32, #tpu.memory_space<vmem>>
      %dma_start3A_281 = arith.constant 0 : i32
      %dma_start3A_282 = tpu.memref_slice %arg5[%squeeze3A_271, %dma_start3A_281] : memref<1000000x64xf32, #tpu.memory_space<hbm>> -> memref<1x64xf32, #tpu.memory_space<hbm>>
      %dma_start3A_283 = tpu.memref_squeeze %dma_start3A_282 : memref<1x64xf32, #tpu.memory_space<hbm>> -> memref<64xf32, #tpu.memory_space<hbm>>
      tpu.enqueue_dma source(%dma_start3A_283 : memref<64xf32, #tpu.memory_space<hbm>>) target(%dma_start3A_280 : memref<64xf32, #tpu.memory_space<vmem>>) target_semaphore(%arg12 : memref<!tpu.dma_semaphore, #tpu.memory_space<semaphore_mem>>)
      %mul3A_284 = arith.constant 8 : i32
      %mul3A_285 = arith.muli %scan3A_23, %mul3A_284 : i32
      %add3A_286 = arith.constant 4 : i32
      %add3A_287 = arith.addi %mul3A_285, %add3A_286 : i32
      %slice3A_288 = vector.extract_strided_slice %get3A_27 {offsets = [8], sizes = [1], strides = [1]} : vector<16xi32> to vector<1xi32>
      %squeeze3A_289 = vector.extract %slice3A_288[0] : i32 from vector<1xi32>
      %dma_start3A_290 = arith.constant 0 : i32
      %dma_start3A_291 = tpu.memref_slice %arg10[%add3A_287, %dma_start3A_290] : memref<256x128xf32, #tpu.memory_space<vmem>> -> memref<1x64xf32, #tpu.memory_space<vmem>>
      %dma_start3A_292 = tpu.memref_squeeze %dma_start3A_291 : memref<1x64xf32, #tpu.memory_space<vmem>> -> memref<64xf32, #tpu.memory_space<vmem>>
      %dma_start3A_293 = arith.constant 0 : i32
      %dma_start3A_294 = tpu.memref_slice %arg4[%squeeze3A_289, %dma_start3A_293] : memref<1000001x64xf32, #tpu.memory_space<hbm>> -> memref<1x64xf32, #tpu.memory_space<hbm>>
      %dma_start3A_295 = tpu.memref_squeeze %dma_start3A_294 : memref<1x64xf32, #tpu.memory_space<hbm>> -> memref<64xf32, #tpu.memory_space<hbm>>
      %dma_start3A_296 = arith.constant 0 : i32
      %dma_start3A_297 = tpu.memref_slice %arg10[%add3A_287, %dma_start3A_296] : memref<256x128xf32, #tpu.memory_space<vmem>> -> memref<1x64xf32, #tpu.memory_space<vmem>>
      %dma_start3A_298 = tpu.memref_squeeze %dma_start3A_297 : memref<1x64xf32, #tpu.memory_space<vmem>> -> memref<64xf32, #tpu.memory_space<vmem>>
      %dma_start3A_299 = arith.constant 0 : i32
      %dma_start3A_300 = tpu.memref_slice %arg4[%squeeze3A_289, %dma_start3A_299] : memref<1000001x64xf32, #tpu.memory_space<hbm>> -> memref<1x64xf32, #tpu.memory_space<hbm>>
      %dma_start3A_301 = tpu.memref_squeeze %dma_start3A_300 : memref<1x64xf32, #tpu.memory_space<hbm>> -> memref<64xf32, #tpu.memory_space<hbm>>
      tpu.enqueue_dma source(%dma_start3A_301 : memref<64xf32, #tpu.memory_space<hbm>>) target(%dma_start3A_298 : memref<64xf32, #tpu.memory_space<vmem>>) target_semaphore(%arg12 : memref<!tpu.dma_semaphore, #tpu.memory_space<semaphore_mem>>)
      %slice3A_302 = vector.extract_strided_slice %get3A_30 {offsets = [8], sizes = [1], strides = [1]} : vector<16xi32> to vector<1xi32>
      %squeeze3A_303 = vector.extract %slice3A_302[0] : i32 from vector<1xi32>
      %dma_start3A_304 = arith.constant 0 : i32
      %dma_start3A_305 = tpu.memref_slice %arg11[%add3A_287, %dma_start3A_304] : memref<256x128xf32, #tpu.memory_space<vmem>> -> memref<1x64xf32, #tpu.memory_space<vmem>>
      %dma_start3A_306 = tpu.memref_squeeze %dma_start3A_305 : memref<1x64xf32, #tpu.memory_space<vmem>> -> memref<64xf32, #tpu.memory_space<vmem>>
      %dma_start3A_307 = arith.constant 0 : i32
      %dma_start3A_308 = tpu.memref_slice %arg5[%squeeze3A_303, %dma_start3A_307] : memref<1000000x64xf32, #tpu.memory_space<hbm>> -> memref<1x64xf32, #tpu.memory_space<hbm>>
      %dma_start3A_309 = tpu.memref_squeeze %dma_start3A_308 : memref<1x64xf32, #tpu.memory_space<hbm>> -> memref<64xf32, #tpu.memory_space<hbm>>
      %dma_start3A_310 = arith.constant 0 : i32
      %dma_start3A_311 = tpu.memref_slice %arg11[%add3A_287, %dma_start3A_310] : memref<256x128xf32, #tpu.memory_space<vmem>> -> memref<1x64xf32, #tpu.memory_space<vmem>>
      %dma_start3A_312 = tpu.memref_squeeze %dma_start3A_311 : memref<1x64xf32, #tpu.memory_space<vmem>> -> memref<64xf32, #tpu.memory_space<vmem>>
      %dma_start3A_313 = arith.constant 0 : i32
      %dma_start3A_314 = tpu.memref_slice %arg5[%squeeze3A_303, %dma_start3A_313] : memref<1000000x64xf32, #tpu.memory_space<hbm>> -> memref<1x64xf32, #tpu.memory_space<hbm>>
      %dma_start3A_315 = tpu.memref_squeeze %dma_start3A_314 : memref<1x64xf32, #tpu.memory_space<hbm>> -> memref<64xf32, #tpu.memory_space<hbm>>
      tpu.enqueue_dma source(%dma_start3A_315 : memref<64xf32, #tpu.memory_space<hbm>>) target(%dma_start3A_312 : memref<64xf32, #tpu.memory_space<vmem>>) target_semaphore(%arg12 : memref<!tpu.dma_semaphore, #tpu.memory_space<semaphore_mem>>)
      %mul3A_316 = arith.constant 8 : i32
      %mul3A_317 = arith.muli %scan3A_23, %mul3A_316 : i32
      %add3A_318 = arith.constant 4 : i32
      %add3A_319 = arith.addi %mul3A_317, %add3A_318 : i32
      %slice3A_320 = vector.extract_strided_slice %get3A_27 {offsets = [9], sizes = [1], strides = [1]} : vector<16xi32> to vector<1xi32>
      %squeeze3A_321 = vector.extract %slice3A_320[0] : i32 from vector<1xi32>
      %dma_start3A_322 = arith.constant 64 : i32
      %dma_start3A_323 = tpu.memref_slice %arg10[%add3A_319, %dma_start3A_322] : memref<256x128xf32, #tpu.memory_space<vmem>> -> memref<1x64xf32, #tpu.memory_space<vmem>>
      %dma_start3A_324 = tpu.memref_squeeze %dma_start3A_323 : memref<1x64xf32, #tpu.memory_space<vmem>> -> memref<64xf32, #tpu.memory_space<vmem>>
      %dma_start3A_325 = arith.constant 0 : i32
      %dma_start3A_326 = tpu.memref_slice %arg4[%squeeze3A_321, %dma_start3A_325] : memref<1000001x64xf32, #tpu.memory_space<hbm>> -> memref<1x64xf32, #tpu.memory_space<hbm>>
      %dma_start3A_327 = tpu.memref_squeeze %dma_start3A_326 : memref<1x64xf32, #tpu.memory_space<hbm>> -> memref<64xf32, #tpu.memory_space<hbm>>
      %dma_start3A_328 = arith.constant 64 : i32
      %dma_start3A_329 = tpu.memref_slice %arg10[%add3A_319, %dma_start3A_328] : memref<256x128xf32, #tpu.memory_space<vmem>> -> memref<1x64xf32, #tpu.memory_space<vmem>>
      %dma_start3A_330 = tpu.memref_squeeze %dma_start3A_329 : memref<1x64xf32, #tpu.memory_space<vmem>> -> memref<64xf32, #tpu.memory_space<vmem>>
      %dma_start3A_331 = arith.constant 0 : i32
      %dma_start3A_332 = tpu.memref_slice %arg4[%squeeze3A_321, %dma_start3A_331] : memref<1000001x64xf32, #tpu.memory_space<hbm>> -> memref<1x64xf32, #tpu.memory_space<hbm>>
      %dma_start3A_333 = tpu.memref_squeeze %dma_start3A_332 : memref<1x64xf32, #tpu.memory_space<hbm>> -> memref<64xf32, #tpu.memory_space<hbm>>
      tpu.enqueue_dma source(%dma_start3A_333 : memref<64xf32, #tpu.memory_space<hbm>>) target(%dma_start3A_330 : memref<64xf32, #tpu.memory_space<vmem>>) target_semaphore(%arg12 : memref<!tpu.dma_semaphore, #tpu.memory_space<semaphore_mem>>)
      %slice3A_334 = vector.extract_strided_slice %get3A_30 {offsets = [9], sizes = [1], strides = [1]} : vector<16xi32> to vector<1xi32>
      %squeeze3A_335 = vector.extract %slice3A_334[0] : i32 from vector<1xi32>
      %dma_start3A_336 = arith.constant 64 : i32
      %dma_start3A_337 = tpu.memref_slice %arg11[%add3A_319, %dma_start3A_336] : memref<256x128xf32, #tpu.memory_space<vmem>> -> memref<1x64xf32, #tpu.memory_space<vmem>>
      %dma_start3A_338 = tpu.memref_squeeze %dma_start3A_337 : memref<1x64xf32, #tpu.memory_space<vmem>> -> memref<64xf32, #tpu.memory_space<vmem>>
      %dma_start3A_339 = arith.constant 0 : i32
      %dma_start3A_340 = tpu.memref_slice %arg5[%squeeze3A_335, %dma_start3A_339] : memref<1000000x64xf32, #tpu.memory_space<hbm>> -> memref<1x64xf32, #tpu.memory_space<hbm>>
      %dma_start3A_341 = tpu.memref_squeeze %dma_start3A_340 : memref<1x64xf32, #tpu.memory_space<hbm>> -> memref<64xf32, #tpu.memory_space<hbm>>
      %dma_start3A_342 = arith.constant 64 : i32
      %dma_start3A_343 = tpu.memref_slice %arg11[%add3A_319, %dma_start3A_342] : memref<256x128xf32, #tpu.memory_space<vmem>> -> memref<1x64xf32, #tpu.memory_space<vmem>>
      %dma_start3A_344 = tpu.memref_squeeze %dma_start3A_343 : memref<1x64xf32, #tpu.memory_space<vmem>> -> memref<64xf32, #tpu.memory_space<vmem>>
      %dma_start3A_345 = arith.constant 0 : i32
      %dma_start3A_346 = tpu.memref_slice %arg5[%squeeze3A_335, %dma_start3A_345] : memref<1000000x64xf32, #tpu.memory_space<hbm>> -> memref<1x64xf32, #tpu.memory_space<hbm>>
      %dma_start3A_347 = tpu.memref_squeeze %dma_start3A_346 : memref<1x64xf32, #tpu.memory_space<hbm>> -> memref<64xf32, #tpu.memory_space<hbm>>
      tpu.enqueue_dma source(%dma_start3A_347 : memref<64xf32, #tpu.memory_space<hbm>>) target(%dma_start3A_344 : memref<64xf32, #tpu.memory_space<vmem>>) target_semaphore(%arg12 : memref<!tpu.dma_semaphore, #tpu.memory_space<semaphore_mem>>)
      %mul3A_348 = arith.constant 8 : i32
      %mul3A_349 = arith.muli %scan3A_23, %mul3A_348 : i32
      %add3A_350 = arith.constant 5 : i32
      %add3A_351 = arith.addi %mul3A_349, %add3A_350 : i32
      %slice3A_352 = vector.extract_strided_slice %get3A_27 {offsets = [10], sizes = [1], strides = [1]} : vector<16xi32> to vector<1xi32>
      %squeeze3A_353 = vector.extract %slice3A_352[0] : i32 from vector<1xi32>
      %dma_start3A_354 = arith.constant 0 : i32
      %dma_start3A_355 = tpu.memref_slice %arg10[%add3A_351, %dma_start3A_354] : memref<256x128xf32, #tpu.memory_space<vmem>> -> memref<1x64xf32, #tpu.memory_space<vmem>>
      %dma_start3A_356 = tpu.memref_squeeze %dma_start3A_355 : memref<1x64xf32, #tpu.memory_space<vmem>> -> memref<64xf32, #tpu.memory_space<vmem>>
      %dma_start3A_357 = arith.constant 0 : i32
      %dma_start3A_358 = tpu.memref_slice %arg4[%squeeze3A_353, %dma_start3A_357] : memref<1000001x64xf32, #tpu.memory_space<hbm>> -> memref<1x64xf32, #tpu.memory_space<hbm>>
      %dma_start3A_359 = tpu.memref_squeeze %dma_start3A_358 : memref<1x64xf32, #tpu.memory_space<hbm>> -> memref<64xf32, #tpu.memory_space<hbm>>
      %dma_start3A_360 = arith.constant 0 : i32
      %dma_start3A_361 = tpu.memref_slice %arg10[%add3A_351, %dma_start3A_360] : memref<256x128xf32, #tpu.memory_space<vmem>> -> memref<1x64xf32, #tpu.memory_space<vmem>>
      %dma_start3A_362 = tpu.memref_squeeze %dma_start3A_361 : memref<1x64xf32, #tpu.memory_space<vmem>> -> memref<64xf32, #tpu.memory_space<vmem>>
      %dma_start3A_363 = arith.constant 0 : i32
      %dma_start3A_364 = tpu.memref_slice %arg4[%squeeze3A_353, %dma_start3A_363] : memref<1000001x64xf32, #tpu.memory_space<hbm>> -> memref<1x64xf32, #tpu.memory_space<hbm>>
      %dma_start3A_365 = tpu.memref_squeeze %dma_start3A_364 : memref<1x64xf32, #tpu.memory_space<hbm>> -> memref<64xf32, #tpu.memory_space<hbm>>
      tpu.enqueue_dma source(%dma_start3A_365 : memref<64xf32, #tpu.memory_space<hbm>>) target(%dma_start3A_362 : memref<64xf32, #tpu.memory_space<vmem>>) target_semaphore(%arg12 : memref<!tpu.dma_semaphore, #tpu.memory_space<semaphore_mem>>)
      %slice3A_366 = vector.extract_strided_slice %get3A_30 {offsets = [10], sizes = [1], strides = [1]} : vector<16xi32> to vector<1xi32>
      %squeeze3A_367 = vector.extract %slice3A_366[0] : i32 from vector<1xi32>
      %dma_start3A_368 = arith.constant 0 : i32
      %dma_start3A_369 = tpu.memref_slice %arg11[%add3A_351, %dma_start3A_368] : memref<256x128xf32, #tpu.memory_space<vmem>> -> memref<1x64xf32, #tpu.memory_space<vmem>>
      %dma_start3A_370 = tpu.memref_squeeze %dma_start3A_369 : memref<1x64xf32, #tpu.memory_space<vmem>> -> memref<64xf32, #tpu.memory_space<vmem>>
      %dma_start3A_371 = arith.constant 0 : i32
      %dma_start3A_372 = tpu.memref_slice %arg5[%squeeze3A_367, %dma_start3A_371] : memref<1000000x64xf32, #tpu.memory_space<hbm>> -> memref<1x64xf32, #tpu.memory_space<hbm>>
      %dma_start3A_373 = tpu.memref_squeeze %dma_start3A_372 : memref<1x64xf32, #tpu.memory_space<hbm>> -> memref<64xf32, #tpu.memory_space<hbm>>
      %dma_start3A_374 = arith.constant 0 : i32
      %dma_start3A_375 = tpu.memref_slice %arg11[%add3A_351, %dma_start3A_374] : memref<256x128xf32, #tpu.memory_space<vmem>> -> memref<1x64xf32, #tpu.memory_space<vmem>>
      %dma_start3A_376 = tpu.memref_squeeze %dma_start3A_375 : memref<1x64xf32, #tpu.memory_space<vmem>> -> memref<64xf32, #tpu.memory_space<vmem>>
      %dma_start3A_377 = arith.constant 0 : i32
      %dma_start3A_378 = tpu.memref_slice %arg5[%squeeze3A_367, %dma_start3A_377] : memref<1000000x64xf32, #tpu.memory_space<hbm>> -> memref<1x64xf32, #tpu.memory_space<hbm>>
      %dma_start3A_379 = tpu.memref_squeeze %dma_start3A_378 : memref<1x64xf32, #tpu.memory_space<hbm>> -> memref<64xf32, #tpu.memory_space<hbm>>
      tpu.enqueue_dma source(%dma_start3A_379 : memref<64xf32, #tpu.memory_space<hbm>>) target(%dma_start3A_376 : memref<64xf32, #tpu.memory_space<vmem>>) target_semaphore(%arg12 : memref<!tpu.dma_semaphore, #tpu.memory_space<semaphore_mem>>)
      %mul3A_380 = arith.constant 8 : i32
      %mul3A_381 = arith.muli %scan3A_23, %mul3A_380 : i32
      %add3A_382 = arith.constant 5 : i32
      %add3A_383 = arith.addi %mul3A_381, %add3A_382 : i32
      %slice3A_384 = vector.extract_strided_slice %get3A_27 {offsets = [11], sizes = [1], strides = [1]} : vector<16xi32> to vector<1xi32>
      %squeeze3A_385 = vector.extract %slice3A_384[0] : i32 from vector<1xi32>
      %dma_start3A_386 = arith.constant 64 : i32
      %dma_start3A_387 = tpu.memref_slice %arg10[%add3A_383, %dma_start3A_386] : memref<256x128xf32, #tpu.memory_space<vmem>> -> memref<1x64xf32, #tpu.memory_space<vmem>>
      %dma_start3A_388 = tpu.memref_squeeze %dma_start3A_387 : memref<1x64xf32, #tpu.memory_space<vmem>> -> memref<64xf32, #tpu.memory_space<vmem>>
      %dma_start3A_389 = arith.constant 0 : i32
      %dma_start3A_390 = tpu.memref_slice %arg4[%squeeze3A_385, %dma_start3A_389] : memref<1000001x64xf32, #tpu.memory_space<hbm>> -> memref<1x64xf32, #tpu.memory_space<hbm>>
      %dma_start3A_391 = tpu.memref_squeeze %dma_start3A_390 : memref<1x64xf32, #tpu.memory_space<hbm>> -> memref<64xf32, #tpu.memory_space<hbm>>
      %dma_start3A_392 = arith.constant 64 : i32
      %dma_start3A_393 = tpu.memref_slice %arg10[%add3A_383, %dma_start3A_392] : memref<256x128xf32, #tpu.memory_space<vmem>> -> memref<1x64xf32, #tpu.memory_space<vmem>>
      %dma_start3A_394 = tpu.memref_squeeze %dma_start3A_393 : memref<1x64xf32, #tpu.memory_space<vmem>> -> memref<64xf32, #tpu.memory_space<vmem>>
      %dma_start3A_395 = arith.constant 0 : i32
      %dma_start3A_396 = tpu.memref_slice %arg4[%squeeze3A_385, %dma_start3A_395] : memref<1000001x64xf32, #tpu.memory_space<hbm>> -> memref<1x64xf32, #tpu.memory_space<hbm>>
      %dma_start3A_397 = tpu.memref_squeeze %dma_start3A_396 : memref<1x64xf32, #tpu.memory_space<hbm>> -> memref<64xf32, #tpu.memory_space<hbm>>
      tpu.enqueue_dma source(%dma_start3A_397 : memref<64xf32, #tpu.memory_space<hbm>>) target(%dma_start3A_394 : memref<64xf32, #tpu.memory_space<vmem>>) target_semaphore(%arg12 : memref<!tpu.dma_semaphore, #tpu.memory_space<semaphore_mem>>)
      %slice3A_398 = vector.extract_strided_slice %get3A_30 {offsets = [11], sizes = [1], strides = [1]} : vector<16xi32> to vector<1xi32>
      %squeeze3A_399 = vector.extract %slice3A_398[0] : i32 from vector<1xi32>
      %dma_start3A_400 = arith.constant 64 : i32
      %dma_start3A_401 = tpu.memref_slice %arg11[%add3A_383, %dma_start3A_400] : memref<256x128xf32, #tpu.memory_space<vmem>> -> memref<1x64xf32, #tpu.memory_space<vmem>>
      %dma_start3A_402 = tpu.memref_squeeze %dma_start3A_401 : memref<1x64xf32, #tpu.memory_space<vmem>> -> memref<64xf32, #tpu.memory_space<vmem>>
      %dma_start3A_403 = arith.constant 0 : i32
      %dma_start3A_404 = tpu.memref_slice %arg5[%squeeze3A_399, %dma_start3A_403] : memref<1000000x64xf32, #tpu.memory_space<hbm>> -> memref<1x64xf32, #tpu.memory_space<hbm>>
      %dma_start3A_405 = tpu.memref_squeeze %dma_start3A_404 : memref<1x64xf32, #tpu.memory_space<hbm>> -> memref<64xf32, #tpu.memory_space<hbm>>
      %dma_start3A_406 = arith.constant 64 : i32
      %dma_start3A_407 = tpu.memref_slice %arg11[%add3A_383, %dma_start3A_406] : memref<256x128xf32, #tpu.memory_space<vmem>> -> memref<1x64xf32, #tpu.memory_space<vmem>>
      %dma_start3A_408 = tpu.memref_squeeze %dma_start3A_407 : memref<1x64xf32, #tpu.memory_space<vmem>> -> memref<64xf32, #tpu.memory_space<vmem>>
      %dma_start3A_409 = arith.constant 0 : i32
      %dma_start3A_410 = tpu.memref_slice %arg5[%squeeze3A_399, %dma_start3A_409] : memref<1000000x64xf32, #tpu.memory_space<hbm>> -> memref<1x64xf32, #tpu.memory_space<hbm>>
      %dma_start3A_411 = tpu.memref_squeeze %dma_start3A_410 : memref<1x64xf32, #tpu.memory_space<hbm>> -> memref<64xf32, #tpu.memory_space<hbm>>
      tpu.enqueue_dma source(%dma_start3A_411 : memref<64xf32, #tpu.memory_space<hbm>>) target(%dma_start3A_408 : memref<64xf32, #tpu.memory_space<vmem>>) target_semaphore(%arg12 : memref<!tpu.dma_semaphore, #tpu.memory_space<semaphore_mem>>)
      %mul3A_412 = arith.constant 8 : i32
      %mul3A_413 = arith.muli %scan3A_23, %mul3A_412 : i32
      %add3A_414 = arith.constant 6 : i32
      %add3A_415 = arith.addi %mul3A_413, %add3A_414 : i32
      %slice3A_416 = vector.extract_strided_slice %get3A_27 {offsets = [12], sizes = [1], strides = [1]} : vector<16xi32> to vector<1xi32>
      %squeeze3A_417 = vector.extract %slice3A_416[0] : i32 from vector<1xi32>
      %dma_start3A_418 = arith.constant 0 : i32
      %dma_start3A_419 = tpu.memref_slice %arg10[%add3A_415, %dma_start3A_418] : memref<256x128xf32, #tpu.memory_space<vmem>> -> memref<1x64xf32, #tpu.memory_space<vmem>>
      %dma_start3A_420 = tpu.memref_squeeze %dma_start3A_419 : memref<1x64xf32, #tpu.memory_space<vmem>> -> memref<64xf32, #tpu.memory_space<vmem>>
      %dma_start3A_421 = arith.constant 0 : i32
      %dma_start3A_422 = tpu.memref_slice %arg4[%squeeze3A_417, %dma_start3A_421] : memref<1000001x64xf32, #tpu.memory_space<hbm>> -> memref<1x64xf32, #tpu.memory_space<hbm>>
      %dma_start3A_423 = tpu.memref_squeeze %dma_start3A_422 : memref<1x64xf32, #tpu.memory_space<hbm>> -> memref<64xf32, #tpu.memory_space<hbm>>
      %dma_start3A_424 = arith.constant 0 : i32
      %dma_start3A_425 = tpu.memref_slice %arg10[%add3A_415, %dma_start3A_424] : memref<256x128xf32, #tpu.memory_space<vmem>> -> memref<1x64xf32, #tpu.memory_space<vmem>>
      %dma_start3A_426 = tpu.memref_squeeze %dma_start3A_425 : memref<1x64xf32, #tpu.memory_space<vmem>> -> memref<64xf32, #tpu.memory_space<vmem>>
      %dma_start3A_427 = arith.constant 0 : i32
      %dma_start3A_428 = tpu.memref_slice %arg4[%squeeze3A_417, %dma_start3A_427] : memref<1000001x64xf32, #tpu.memory_space<hbm>> -> memref<1x64xf32, #tpu.memory_space<hbm>>
      %dma_start3A_429 = tpu.memref_squeeze %dma_start3A_428 : memref<1x64xf32, #tpu.memory_space<hbm>> -> memref<64xf32, #tpu.memory_space<hbm>>
      tpu.enqueue_dma source(%dma_start3A_429 : memref<64xf32, #tpu.memory_space<hbm>>) target(%dma_start3A_426 : memref<64xf32, #tpu.memory_space<vmem>>) target_semaphore(%arg12 : memref<!tpu.dma_semaphore, #tpu.memory_space<semaphore_mem>>)
      %slice3A_430 = vector.extract_strided_slice %get3A_30 {offsets = [12], sizes = [1], strides = [1]} : vector<16xi32> to vector<1xi32>
      %squeeze3A_431 = vector.extract %slice3A_430[0] : i32 from vector<1xi32>
      %dma_start3A_432 = arith.constant 0 : i32
      %dma_start3A_433 = tpu.memref_slice %arg11[%add3A_415, %dma_start3A_432] : memref<256x128xf32, #tpu.memory_space<vmem>> -> memref<1x64xf32, #tpu.memory_space<vmem>>
      %dma_start3A_434 = tpu.memref_squeeze %dma_start3A_433 : memref<1x64xf32, #tpu.memory_space<vmem>> -> memref<64xf32, #tpu.memory_space<vmem>>
      %dma_start3A_435 = arith.constant 0 : i32
      %dma_start3A_436 = tpu.memref_slice %arg5[%squeeze3A_431, %dma_start3A_435] : memref<1000000x64xf32, #tpu.memory_space<hbm>> -> memref<1x64xf32, #tpu.memory_space<hbm>>
      %dma_start3A_437 = tpu.memref_squeeze %dma_start3A_436 : memref<1x64xf32, #tpu.memory_space<hbm>> -> memref<64xf32, #tpu.memory_space<hbm>>
      %dma_start3A_438 = arith.constant 0 : i32
      %dma_start3A_439 = tpu.memref_slice %arg11[%add3A_415, %dma_start3A_438] : memref<256x128xf32, #tpu.memory_space<vmem>> -> memref<1x64xf32, #tpu.memory_space<vmem>>
      %dma_start3A_440 = tpu.memref_squeeze %dma_start3A_439 : memref<1x64xf32, #tpu.memory_space<vmem>> -> memref<64xf32, #tpu.memory_space<vmem>>
      %dma_start3A_441 = arith.constant 0 : i32
      %dma_start3A_442 = tpu.memref_slice %arg5[%squeeze3A_431, %dma_start3A_441] : memref<1000000x64xf32, #tpu.memory_space<hbm>> -> memref<1x64xf32, #tpu.memory_space<hbm>>
      %dma_start3A_443 = tpu.memref_squeeze %dma_start3A_442 : memref<1x64xf32, #tpu.memory_space<hbm>> -> memref<64xf32, #tpu.memory_space<hbm>>
      tpu.enqueue_dma source(%dma_start3A_443 : memref<64xf32, #tpu.memory_space<hbm>>) target(%dma_start3A_440 : memref<64xf32, #tpu.memory_space<vmem>>) target_semaphore(%arg12 : memref<!tpu.dma_semaphore, #tpu.memory_space<semaphore_mem>>)
      %mul3A_444 = arith.constant 8 : i32
      %mul3A_445 = arith.muli %scan3A_23, %mul3A_444 : i32
      %add3A_446 = arith.constant 6 : i32
      %add3A_447 = arith.addi %mul3A_445, %add3A_446 : i32
      %slice3A_448 = vector.extract_strided_slice %get3A_27 {offsets = [13], sizes = [1], strides = [1]} : vector<16xi32> to vector<1xi32>
      %squeeze3A_449 = vector.extract %slice3A_448[0] : i32 from vector<1xi32>
      %dma_start3A_450 = arith.constant 64 : i32
      %dma_start3A_451 = tpu.memref_slice %arg10[%add3A_447, %dma_start3A_450] : memref<256x128xf32, #tpu.memory_space<vmem>> -> memref<1x64xf32, #tpu.memory_space<vmem>>
      %dma_start3A_452 = tpu.memref_squeeze %dma_start3A_451 : memref<1x64xf32, #tpu.memory_space<vmem>> -> memref<64xf32, #tpu.memory_space<vmem>>
      %dma_start3A_453 = arith.constant 0 : i32
      %dma_start3A_454 = tpu.memref_slice %arg4[%squeeze3A_449, %dma_start3A_453] : memref<1000001x64xf32, #tpu.memory_space<hbm>> -> memref<1x64xf32, #tpu.memory_space<hbm>>
      %dma_start3A_455 = tpu.memref_squeeze %dma_start3A_454 : memref<1x64xf32, #tpu.memory_space<hbm>> -> memref<64xf32, #tpu.memory_space<hbm>>
      %dma_start3A_456 = arith.constant 64 : i32
      %dma_start3A_457 = tpu.memref_slice %arg10[%add3A_447, %dma_start3A_456] : memref<256x128xf32, #tpu.memory_space<vmem>> -> memref<1x64xf32, #tpu.memory_space<vmem>>
      %dma_start3A_458 = tpu.memref_squeeze %dma_start3A_457 : memref<1x64xf32, #tpu.memory_space<vmem>> -> memref<64xf32, #tpu.memory_space<vmem>>
      %dma_start3A_459 = arith.constant 0 : i32
      %dma_start3A_460 = tpu.memref_slice %arg4[%squeeze3A_449, %dma_start3A_459] : memref<1000001x64xf32, #tpu.memory_space<hbm>> -> memref<1x64xf32, #tpu.memory_space<hbm>>
      %dma_start3A_461 = tpu.memref_squeeze %dma_start3A_460 : memref<1x64xf32, #tpu.memory_space<hbm>> -> memref<64xf32, #tpu.memory_space<hbm>>
      tpu.enqueue_dma source(%dma_start3A_461 : memref<64xf32, #tpu.memory_space<hbm>>) target(%dma_start3A_458 : memref<64xf32, #tpu.memory_space<vmem>>) target_semaphore(%arg12 : memref<!tpu.dma_semaphore, #tpu.memory_space<semaphore_mem>>)
      %slice3A_462 = vector.extract_strided_slice %get3A_30 {offsets = [13], sizes = [1], strides = [1]} : vector<16xi32> to vector<1xi32>
      %squeeze3A_463 = vector.extract %slice3A_462[0] : i32 from vector<1xi32>
      %dma_start3A_464 = arith.constant 64 : i32
      %dma_start3A_465 = tpu.memref_slice %arg11[%add3A_447, %dma_start3A_464] : memref<256x128xf32, #tpu.memory_space<vmem>> -> memref<1x64xf32, #tpu.memory_space<vmem>>
      %dma_start3A_466 = tpu.memref_squeeze %dma_start3A_465 : memref<1x64xf32, #tpu.memory_space<vmem>> -> memref<64xf32, #tpu.memory_space<vmem>>
      %dma_start3A_467 = arith.constant 0 : i32
      %dma_start3A_468 = tpu.memref_slice %arg5[%squeeze3A_463, %dma_start3A_467] : memref<1000000x64xf32, #tpu.memory_space<hbm>> -> memref<1x64xf32, #tpu.memory_space<hbm>>
      %dma_start3A_469 = tpu.memref_squeeze %dma_start3A_468 : memref<1x64xf32, #tpu.memory_space<hbm>> -> memref<64xf32, #tpu.memory_space<hbm>>
      %dma_start3A_470 = arith.constant 64 : i32
      %dma_start3A_471 = tpu.memref_slice %arg11[%add3A_447, %dma_start3A_470] : memref<256x128xf32, #tpu.memory_space<vmem>> -> memref<1x64xf32, #tpu.memory_space<vmem>>
      %dma_start3A_472 = tpu.memref_squeeze %dma_start3A_471 : memref<1x64xf32, #tpu.memory_space<vmem>> -> memref<64xf32, #tpu.memory_space<vmem>>
      %dma_start3A_473 = arith.constant 0 : i32
      %dma_start3A_474 = tpu.memref_slice %arg5[%squeeze3A_463, %dma_start3A_473] : memref<1000000x64xf32, #tpu.memory_space<hbm>> -> memref<1x64xf32, #tpu.memory_space<hbm>>
      %dma_start3A_475 = tpu.memref_squeeze %dma_start3A_474 : memref<1x64xf32, #tpu.memory_space<hbm>> -> memref<64xf32, #tpu.memory_space<hbm>>
      tpu.enqueue_dma source(%dma_start3A_475 : memref<64xf32, #tpu.memory_space<hbm>>) target(%dma_start3A_472 : memref<64xf32, #tpu.memory_space<vmem>>) target_semaphore(%arg12 : memref<!tpu.dma_semaphore, #tpu.memory_space<semaphore_mem>>)
      %mul3A_476 = arith.constant 8 : i32
      %mul3A_477 = arith.muli %scan3A_23, %mul3A_476 : i32
      %add3A_478 = arith.constant 7 : i32
      %add3A_479 = arith.addi %mul3A_477, %add3A_478 : i32
      %slice3A_480 = vector.extract_strided_slice %get3A_27 {offsets = [14], sizes = [1], strides = [1]} : vector<16xi32> to vector<1xi32>
      %squeeze3A_481 = vector.extract %slice3A_480[0] : i32 from vector<1xi32>
      %dma_start3A_482 = arith.constant 0 : i32
      %dma_start3A_483 = tpu.memref_slice %arg10[%add3A_479, %dma_start3A_482] : memref<256x128xf32, #tpu.memory_space<vmem>> -> memref<1x64xf32, #tpu.memory_space<vmem>>
      %dma_start3A_484 = tpu.memref_squeeze %dma_start3A_483 : memref<1x64xf32, #tpu.memory_space<vmem>> -> memref<64xf32, #tpu.memory_space<vmem>>
      %dma_start3A_485 = arith.constant 0 : i32
      %dma_start3A_486 = tpu.memref_slice %arg4[%squeeze3A_481, %dma_start3A_485] : memref<1000001x64xf32, #tpu.memory_space<hbm>> -> memref<1x64xf32, #tpu.memory_space<hbm>>
      %dma_start3A_487 = tpu.memref_squeeze %dma_start3A_486 : memref<1x64xf32, #tpu.memory_space<hbm>> -> memref<64xf32, #tpu.memory_space<hbm>>
      %dma_start3A_488 = arith.constant 0 : i32
      %dma_start3A_489 = tpu.memref_slice %arg10[%add3A_479, %dma_start3A_488] : memref<256x128xf32, #tpu.memory_space<vmem>> -> memref<1x64xf32, #tpu.memory_space<vmem>>
      %dma_start3A_490 = tpu.memref_squeeze %dma_start3A_489 : memref<1x64xf32, #tpu.memory_space<vmem>> -> memref<64xf32, #tpu.memory_space<vmem>>
      %dma_start3A_491 = arith.constant 0 : i32
      %dma_start3A_492 = tpu.memref_slice %arg4[%squeeze3A_481, %dma_start3A_491] : memref<1000001x64xf32, #tpu.memory_space<hbm>> -> memref<1x64xf32, #tpu.memory_space<hbm>>
      %dma_start3A_493 = tpu.memref_squeeze %dma_start3A_492 : memref<1x64xf32, #tpu.memory_space<hbm>> -> memref<64xf32, #tpu.memory_space<hbm>>
      tpu.enqueue_dma source(%dma_start3A_493 : memref<64xf32, #tpu.memory_space<hbm>>) target(%dma_start3A_490 : memref<64xf32, #tpu.memory_space<vmem>>) target_semaphore(%arg12 : memref<!tpu.dma_semaphore, #tpu.memory_space<semaphore_mem>>)
      %slice3A_494 = vector.extract_strided_slice %get3A_30 {offsets = [14], sizes = [1], strides = [1]} : vector<16xi32> to vector<1xi32>
      %squeeze3A_495 = vector.extract %slice3A_494[0] : i32 from vector<1xi32>
      %dma_start3A_496 = arith.constant 0 : i32
      %dma_start3A_497 = tpu.memref_slice %arg11[%add3A_479, %dma_start3A_496] : memref<256x128xf32, #tpu.memory_space<vmem>> -> memref<1x64xf32, #tpu.memory_space<vmem>>
      %dma_start3A_498 = tpu.memref_squeeze %dma_start3A_497 : memref<1x64xf32, #tpu.memory_space<vmem>> -> memref<64xf32, #tpu.memory_space<vmem>>
      %dma_start3A_499 = arith.constant 0 : i32
      %dma_start3A_500 = tpu.memref_slice %arg5[%squeeze3A_495, %dma_start3A_499] : memref<1000000x64xf32, #tpu.memory_space<hbm>> -> memref<1x64xf32, #tpu.memory_space<hbm>>
      %dma_start3A_501 = tpu.memref_squeeze %dma_start3A_500 : memref<1x64xf32, #tpu.memory_space<hbm>> -> memref<64xf32, #tpu.memory_space<hbm>>
      %dma_start3A_502 = arith.constant 0 : i32
      %dma_start3A_503 = tpu.memref_slice %arg11[%add3A_479, %dma_start3A_502] : memref<256x128xf32, #tpu.memory_space<vmem>> -> memref<1x64xf32, #tpu.memory_space<vmem>>
      %dma_start3A_504 = tpu.memref_squeeze %dma_start3A_503 : memref<1x64xf32, #tpu.memory_space<vmem>> -> memref<64xf32, #tpu.memory_space<vmem>>
      %dma_start3A_505 = arith.constant 0 : i32
      %dma_start3A_506 = tpu.memref_slice %arg5[%squeeze3A_495, %dma_start3A_505] : memref<1000000x64xf32, #tpu.memory_space<hbm>> -> memref<1x64xf32, #tpu.memory_space<hbm>>
      %dma_start3A_507 = tpu.memref_squeeze %dma_start3A_506 : memref<1x64xf32, #tpu.memory_space<hbm>> -> memref<64xf32, #tpu.memory_space<hbm>>
      tpu.enqueue_dma source(%dma_start3A_507 : memref<64xf32, #tpu.memory_space<hbm>>) target(%dma_start3A_504 : memref<64xf32, #tpu.memory_space<vmem>>) target_semaphore(%arg12 : memref<!tpu.dma_semaphore, #tpu.memory_space<semaphore_mem>>)
      %mul3A_508 = arith.constant 8 : i32
      %mul3A_509 = arith.muli %scan3A_23, %mul3A_508 : i32
      %add3A_510 = arith.constant 7 : i32
      %add3A_511 = arith.addi %mul3A_509, %add3A_510 : i32
      %slice3A_512 = vector.extract_strided_slice %get3A_27 {offsets = [15], sizes = [1], strides = [1]} : vector<16xi32> to vector<1xi32>
      %squeeze3A_513 = vector.extract %slice3A_512[0] : i32 from vector<1xi32>
      %dma_start3A_514 = arith.constant 64 : i32
      %dma_start3A_515 = tpu.memref_slice %arg10[%add3A_511, %dma_start3A_514] : memref<256x128xf32, #tpu.memory_space<vmem>> -> memref<1x64xf32, #tpu.memory_space<vmem>>
      %dma_start3A_516 = tpu.memref_squeeze %dma_start3A_515 : memref<1x64xf32, #tpu.memory_space<vmem>> -> memref<64xf32, #tpu.memory_space<vmem>>
      %dma_start3A_517 = arith.constant 0 : i32
      %dma_start3A_518 = tpu.memref_slice %arg4[%squeeze3A_513, %dma_start3A_517] : memref<1000001x64xf32, #tpu.memory_space<hbm>> -> memref<1x64xf32, #tpu.memory_space<hbm>>
      %dma_start3A_519 = tpu.memref_squeeze %dma_start3A_518 : memref<1x64xf32, #tpu.memory_space<hbm>> -> memref<64xf32, #tpu.memory_space<hbm>>
      %dma_start3A_520 = arith.constant 64 : i32
      %dma_start3A_521 = tpu.memref_slice %arg10[%add3A_511, %dma_start3A_520] : memref<256x128xf32, #tpu.memory_space<vmem>> -> memref<1x64xf32, #tpu.memory_space<vmem>>
      %dma_start3A_522 = tpu.memref_squeeze %dma_start3A_521 : memref<1x64xf32, #tpu.memory_space<vmem>> -> memref<64xf32, #tpu.memory_space<vmem>>
      %dma_start3A_523 = arith.constant 0 : i32
      %dma_start3A_524 = tpu.memref_slice %arg4[%squeeze3A_513, %dma_start3A_523] : memref<1000001x64xf32, #tpu.memory_space<hbm>> -> memref<1x64xf32, #tpu.memory_space<hbm>>
      %dma_start3A_525 = tpu.memref_squeeze %dma_start3A_524 : memref<1x64xf32, #tpu.memory_space<hbm>> -> memref<64xf32, #tpu.memory_space<hbm>>
      tpu.enqueue_dma source(%dma_start3A_525 : memref<64xf32, #tpu.memory_space<hbm>>) target(%dma_start3A_522 : memref<64xf32, #tpu.memory_space<vmem>>) target_semaphore(%arg12 : memref<!tpu.dma_semaphore, #tpu.memory_space<semaphore_mem>>)
      %slice3A_526 = vector.extract_strided_slice %get3A_30 {offsets = [15], sizes = [1], strides = [1]} : vector<16xi32> to vector<1xi32>
      %squeeze3A_527 = vector.extract %slice3A_526[0] : i32 from vector<1xi32>
      %dma_start3A_528 = arith.constant 64 : i32
      %dma_start3A_529 = tpu.memref_slice %arg11[%add3A_511, %dma_start3A_528] : memref<256x128xf32, #tpu.memory_space<vmem>> -> memref<1x64xf32, #tpu.memory_space<vmem>>
      %dma_start3A_530 = tpu.memref_squeeze %dma_start3A_529 : memref<1x64xf32, #tpu.memory_space<vmem>> -> memref<64xf32, #tpu.memory_space<vmem>>
      %dma_start3A_531 = arith.constant 0 : i32
      %dma_start3A_532 = tpu.memref_slice %arg5[%squeeze3A_527, %dma_start3A_531] : memref<1000000x64xf32, #tpu.memory_space<hbm>> -> memref<1x64xf32, #tpu.memory_space<hbm>>
      %dma_start3A_533 = tpu.memref_squeeze %dma_start3A_532 : memref<1x64xf32, #tpu.memory_space<hbm>> -> memref<64xf32, #tpu.memory_space<hbm>>
      %dma_start3A_534 = arith.constant 64 : i32
      %dma_start3A_535 = tpu.memref_slice %arg11[%add3A_511, %dma_start3A_534] : memref<256x128xf32, #tpu.memory_space<vmem>> -> memref<1x64xf32, #tpu.memory_space<vmem>>
      %dma_start3A_536 = tpu.memref_squeeze %dma_start3A_535 : memref<1x64xf32, #tpu.memory_space<vmem>> -> memref<64xf32, #tpu.memory_space<vmem>>
      %dma_start3A_537 = arith.constant 0 : i32
      %dma_start3A_538 = tpu.memref_slice %arg5[%squeeze3A_527, %dma_start3A_537] : memref<1000000x64xf32, #tpu.memory_space<hbm>> -> memref<1x64xf32, #tpu.memory_space<hbm>>
      %dma_start3A_539 = tpu.memref_squeeze %dma_start3A_538 : memref<1x64xf32, #tpu.memory_space<hbm>> -> memref<64xf32, #tpu.memory_space<hbm>>
      tpu.enqueue_dma source(%dma_start3A_539 : memref<64xf32, #tpu.memory_space<hbm>>) target(%dma_start3A_536 : memref<64xf32, #tpu.memory_space<vmem>>) target_semaphore(%arg12 : memref<!tpu.dma_semaphore, #tpu.memory_space<semaphore_mem>>)
    }
    %scan3A_7 = arith.constant 32 : i32
    %dma_wait3A = arith.constant 0 : i32
    %dma_wait3A_8 = arith.constant 0 : i32
    %dma_wait3A_9 = tpu.memref_slice %arg6[%dma_wait3A, %dma_wait3A_8] : memref<8192x128xf32, #tpu.memory_space<hbm>> -> memref<256x128xf32, #tpu.memory_space<hbm>>
    %dma_wait3A_10 = arith.constant 0 : i32
    %dma_wait3A_11 = arith.constant 0 : i32
    %dma_wait3A_12 = tpu.memref_slice %arg6[%dma_wait3A_10, %dma_wait3A_11] : memref<8192x128xf32, #tpu.memory_space<hbm>> -> memref<256x128xf32, #tpu.memory_space<hbm>>
    tpu.wait_dma2 semaphore(%arg12 : memref<!tpu.dma_semaphore, #tpu.memory_space<semaphore_mem>>) src(%dma_wait3A_12 : memref<256x128xf32, #tpu.memory_space<hbm>>) dst(%arg10 : memref<256x128xf32, #tpu.memory_space<vmem>>)
    %dma_wait3A_13 = arith.constant 0 : i32
    %dma_wait3A_14 = arith.constant 0 : i32
    %dma_wait3A_15 = tpu.memref_slice %arg7[%dma_wait3A_13, %dma_wait3A_14] : memref<8192x128xf32, #tpu.memory_space<hbm>> -> memref<256x128xf32, #tpu.memory_space<hbm>>
    %dma_wait3A_16 = arith.constant 0 : i32
    %dma_wait3A_17 = arith.constant 0 : i32
    %dma_wait3A_18 = tpu.memref_slice %arg7[%dma_wait3A_16, %dma_wait3A_17] : memref<8192x128xf32, #tpu.memory_space<hbm>> -> memref<256x128xf32, #tpu.memory_space<hbm>>
    tpu.wait_dma2 semaphore(%arg12 : memref<!tpu.dma_semaphore, #tpu.memory_space<semaphore_mem>>) src(%dma_wait3A_18 : memref<256x128xf32, #tpu.memory_space<hbm>>) dst(%arg11 : memref<256x128xf32, #tpu.memory_space<vmem>>)
    %mul3A_19 = arith.constant 256 : i32
    %mul3A_20 = arith.muli %add3A, %mul3A_19 : i32
    "tpu.region"() ({
      %run_scoped3A = tpu.sem_alloc : memref<!tpu.dma_semaphore, #tpu.memory_space<semaphore_mem>>
      %dma_start3A = arith.constant 0 : i32
      %dma_start3A_23 = tpu.memref_slice %arg6[%mul3A_20, %dma_start3A] : memref<8192x128xf32, #tpu.memory_space<hbm>> -> memref<256x128xf32, #tpu.memory_space<hbm>>
      %dma_start3A_24 = arith.constant 0 : i32
      %dma_start3A_25 = tpu.memref_slice %arg6[%mul3A_20, %dma_start3A_24] : memref<8192x128xf32, #tpu.memory_space<hbm>> -> memref<256x128xf32, #tpu.memory_space<hbm>>
      tpu.enqueue_dma source(%arg10 : memref<256x128xf32, #tpu.memory_space<vmem>>) target(%dma_start3A_25 : memref<256x128xf32, #tpu.memory_space<hbm>>) target_semaphore(%run_scoped3A : memref<!tpu.dma_semaphore, #tpu.memory_space<semaphore_mem>>)
      %dma_wait3A_26 = arith.constant 0 : i32
      %dma_wait3A_27 = tpu.memref_slice %arg6[%mul3A_20, %dma_wait3A_26] : memref<8192x128xf32, #tpu.memory_space<hbm>> -> memref<256x128xf32, #tpu.memory_space<hbm>>
      %dma_wait3A_28 = arith.constant 0 : i32
      %dma_wait3A_29 = tpu.memref_slice %arg6[%mul3A_20, %dma_wait3A_28] : memref<8192x128xf32, #tpu.memory_space<hbm>> -> memref<256x128xf32, #tpu.memory_space<hbm>>
      tpu.wait_dma2 semaphore(%run_scoped3A : memref<!tpu.dma_semaphore, #tpu.memory_space<semaphore_mem>>) src(%arg10 : memref<256x128xf32, #tpu.memory_space<vmem>>) dst(%dma_wait3A_29 : memref<256x128xf32, #tpu.memory_space<hbm>>)
      tpu.yield
    }) : () -> ()
    %mul3A_21 = arith.constant 256 : i32
    %mul3A_22 = arith.muli %add3A, %mul3A_21 : i32
    "tpu.region"() ({
      %run_scoped3A = tpu.sem_alloc : memref<!tpu.dma_semaphore, #tpu.memory_space<semaphore_mem>>
      %dma_start3A = arith.constant 0 : i32
      %dma_start3A_23 = tpu.memref_slice %arg7[%mul3A_22, %dma_start3A] : memref<8192x128xf32, #tpu.memory_space<hbm>> -> memref<256x128xf32, #tpu.memory_space<hbm>>
      %dma_start3A_24 = arith.constant 0 : i32
      %dma_start3A_25 = tpu.memref_slice %arg7[%mul3A_22, %dma_start3A_24] : memref<8192x128xf32, #tpu.memory_space<hbm>> -> memref<256x128xf32, #tpu.memory_space<hbm>>
      tpu.enqueue_dma source(%arg11 : memref<256x128xf32, #tpu.memory_space<vmem>>) target(%dma_start3A_25 : memref<256x128xf32, #tpu.memory_space<hbm>>) target_semaphore(%run_scoped3A : memref<!tpu.dma_semaphore, #tpu.memory_space<semaphore_mem>>)
      %dma_wait3A_26 = arith.constant 0 : i32
      %dma_wait3A_27 = tpu.memref_slice %arg7[%mul3A_22, %dma_wait3A_26] : memref<8192x128xf32, #tpu.memory_space<hbm>> -> memref<256x128xf32, #tpu.memory_space<hbm>>
      %dma_wait3A_28 = arith.constant 0 : i32
      %dma_wait3A_29 = tpu.memref_slice %arg7[%mul3A_22, %dma_wait3A_28] : memref<8192x128xf32, #tpu.memory_space<hbm>> -> memref<256x128xf32, #tpu.memory_space<hbm>>
      tpu.wait_dma2 semaphore(%run_scoped3A : memref<!tpu.dma_semaphore, #tpu.memory_space<semaphore_mem>>) src(%arg11 : memref<256x128xf32, #tpu.memory_space<vmem>>) dst(%dma_wait3A_29 : memref<256x128xf32, #tpu.memory_space<hbm>>)
      tpu.yield
    }) : () -> ()
    return
  }
}

</mosaic_0001>

<sc_bundles>
// kernel: _lookup.3.cloned.1.call-start
scs
__scs_entry_jumppad:
0x0: {  	(pc) =	sbr.rel $0x88, $3  }
0x1: {  	(tag) =	ssettag $0x0;
	lr =	simm.s32 $0x1  }
0x2: {  	[smem:$0x3F9D] =	sst lr;
	_ =	strace $0xD0000000  }
0x3: {  	_ = 	snop  }
0x4: {  	_ = 	snop  }
0x5: {  	_ = 	snop  }
0x6: {  	_ = 	snop  }
0x7: {  	_ = 	snop  }
__scs_overlays_trampoline_lowered:
0x8: {  	[smem:$0x3FAC] =	sst s0  }
0x9: {  	[smem:$0x3FAD] =	sst s1  }
0xa: {  	[smem:$0x3FAE] =	sst s2  }
0xb: {  	[smem:$0x3FAF] =	sst s3  }
0xc: {  	[smem:$0x3FB0] =	sst s4  }
0xd: {  	[smem:$0x3FB1] =	sst s5  }
0xe: {  	[smem:$0x3FB2] =	sst s6  }
0xf: {  	[smem:$0x3FB3] =	sst s7  }
0x10: {  	[smem:$0x3FB4] =	sst s8  }
0x11: {  	[smem:$0x3FB5] =	sst s9;
	s0 =	simm.s32 @!p0 $0x0  }
0x12: {  	s1 =	sld [smem:$0x3F9B];
	s0 =	simm.s32 @p0 $0x1  }
0x13: {  	[smem:$0x3FB6] =	sst s0;
	s0 =	simm.s32 @!p1 $0x0  }
0x14: {  	s2 =	sld [smem:$0x3F9A];
	s0 =	simm.s32 @p1 $0x1  }
0x15: {  	[smem:$0x3FB7] =	sst s0;
	s0 =	simm.s32 @!p2 $0x0  }
0x16: {  	s3 =	sld [smem:$0x3FDB];
	s0 =	simm.s32 @p2 $0x1  }
0x17: {  	s4 =	simm.s32 $0x1BF5;
	[smem:$0x3FB9] =	sst s0  }
0x18: {  	s0 =	sld [smem:$0x3F9C];
	_ =	swait.ge [sflag:s4], $0x0  }
0x19: {  	s7 =	sld [smem:$0x3F9D]  }
0x1a: {  	s8 =	sadd.s32 $0xFFFFE003, lr  }
0x1b: {  	s9 =	sadd.s32 $0xFFFFFEF7, lr;
	s5 =	simm.s32 $0xFFFFFFFF;
	p2 =	slt.u32 s8, $0xFFFFF086  }
0x1c: {  	p1 =	slt.u32 s9, $0xF7A;
	s5 =	simm.s32 @!p2 $0x0  }
0x1d: {  	s5 =	simm.s32 @p1 $0x1;
	p0 =	seq.s32 s7, s2  }
0x1e: {  	s7 =	smul.u32 @!p0 $0xF7A, s2;
	p2 =	seq.s32 @!p0 s5, $0x0  }
0x1f: {  	s9 =	smul.u32 $0xF7A, s1;
	s8 =	simm.s32 @!p0 $0x1BF5;
	p2 =	por !p2, p0  }
0x20: {  	[sflag:s8] =	ssyncset.s32 @!p0 $0xFFFFF086;
	s6 =	sadd.s32 @!p0 s3, s7;
	s7 =	simm.s32 @!p0 $0x108  }
0x21: {  	s3 =	sadd.s32 s3, s9;
	s6 =	sadd.s32 @!p0 $0x88, s6;
	s7 =	simm.s32 @p2 $0x1082  }
0x22: {  	[simem:s7], [sflag:s8] =	dma.local @!p0 [hbm:s6], $0xF7A  }
0x23: {  	s9 =	sor.u32 $0xD0000000, s2;
	s6 =	simm.s32 $0x108;
	_ =	swait.ge @!p0 [sflag:s8], $0x0  }
0x24: {  	s3 =	sadd.s32 $0x88, s3;
	s6 =	simm.s32 @!p1 $0x1082;
	[sflag:s4] =	ssyncset.s32 $0xFFFFF086  }
0x25: {  	[simem:s6], [sflag:s4] =	dma.local [hbm:s3], $0xF7A  }
0x26: {  	[smem:$0x3F9D] =	sst s1;
	(tag) =	ssettag s2;
	_ =	strace s9  }
0x27: {  	s1 =	sld [smem:$0x3FAD]  }
0x28: {  	s2 =	sld [smem:$0x3FAE]  }
0x29: {  	s4 =	sld [smem:$0x3FB0]  }
0x2a: {  	p0 =	seq.s32 s5, $0x0;
	s5 =	sld [smem:$0x3FB1]  }
0x2b: {  	s6 =	sld [smem:$0x3FB2]  }
0x2c: {  	s7 =	sld [smem:$0x3FB3]  }
0x2d: {  	s3 =	simm.s32 $0x108;
	s8 =	sld [smem:$0x3FB4]  }
0x2e: {  	s3 =	simm.s32 @!p0 $0x1082;
	s9 =	sld [smem:$0x3FB5]  }
0x2f: {  	lr =	sadd.s32 s0, s3;
	s0 =	sld [smem:$0x3FAC]  }
0x30: {  	s3 =	sld [smem:$0x3FAF]  }
0x31: {  	[smem:$0x3FB8] =	sst s10  }
0x32: {  	s10 =	sld [smem:$0x3FB6];
	_ =	sdelay $0x3  }
0x33: {  	p0 =	seq.s32 s10, $0x1;
	s10 =	sld [smem:$0x3FB8];
	_ =	sdelay $0x3  }
0x34: {  	[smem:$0x3FB8] =	sst s10  }
0x35: {  	s10 =	sld [smem:$0x3FB7];
	_ =	sdelay $0x3  }
0x36: {  	p1 =	seq.s32 s10, $0x1;
	s10 =	sld [smem:$0x3FB8];
	_ =	sdelay $0x3  }
0x37: {  	[smem:$0x3FB8] =	sst s10  }
0x38: {  	s10 =	sld [smem:$0x3FB9]  }
0x39: {  	_ = 	snop;
	(pc) =	sbr.ind lr, $3  }
0x3a: {  	_ = 	snop  }
0x3b: {  	_ = 	snop  }
0x3c: {  	p2 =	seq.s32 s10, $0x1;
	s10 =	sld [smem:$0x3FB8]  }
0x3d: {  	_ =	shalt  }
0x3e: {  	_ =	shalt  }
0x3f: {  	_ =	shalt  }
0x40: {  	_ =	shalt  }
0x41: {  	_ =	shalt  }
0x42: {  	_ =	shalt  }
0x43: {  	_ =	shalt  }
0x44: {  	_ =	shalt  }
0x45: {  	_ =	shalt  }
0x46: {  	_ =	shalt  }
0x47: {  	_ =	shalt  }
0x48: {  	_ =	shalt  }
0x49: {  	_ =	shalt  }
0x4a: {  	_ =	shalt  }
0x4b: {  	_ =	shalt  }
0x4c: {  	_ =	shalt  }
0x4d: {  	_ =	shalt  }
0x4e: {  	_ =	shalt  }
0x4f: {  	_ =	shalt  }
0x50: {  	_ =	shalt  }
0x51: {  	_ =	shalt  }
0x52: {  	_ =	shalt  }
0x53: {  	_ =	shalt  }
0x54: {  	_ =	shalt  }
0x55: {  	_ =	shalt  }
0x56: {  	_ =	shalt  }
0x57: {  	_ =	shalt  }
0x58: {  	_ =	shalt  }
0x59: {  	_ =	shalt  }
0x5a: {  	_ =	shalt  }
0x5b: {  	_ =	shalt  }
0x5c: {  	_ =	shalt  }
0x5d: {  	_ =	shalt  }
0x5e: {  	_ =	shalt  }
0x5f: {  	_ =	shalt  }
0x60: {  	_ =	shalt  }
0x61: {  	_ =	shalt  }
0x62: {  	_ =	shalt  }
0x63: {  	_ =	shalt  }
0x64: {  	_ =	shalt  }
0x65: {  	_ =	shalt  }
0x66: {  	_ =	shalt  }
0x67: {  	_ =	shalt  }
0x68: {  	_ =	shalt  }
0x69: {  	_ =	shalt  }
0x6a: {  	_ =	shalt  }
0x6b: {  	_ =	shalt  }
0x6c: {  	_ =	shalt  }
0x6d: {  	_ =	shalt  }
0x6e: {  	_ =	shalt  }
0x6f: {  	_ =	shalt  }
0x70: {  	_ =	shalt  }
0x71: {  	_ =	shalt  }
0x72: {  	_ =	shalt  }
0x73: {  	_ =	shalt  }
0x74: {  	_ =	shalt  }
0x75: {  	_ =	shalt  }
0x76: {  	_ =	shalt  }
0x77: {  	_ =	shalt  }
0x78: {  	_ =	shalt  }
0x79: {  	_ =	shalt  }
0x7a: {  	_ =	shalt  }
0x7b: {  	_ =	shalt  }
0x7c: {  	_ =	shalt  }
0x7d: {  	_ =	shalt  }
0x7e: {  	_ =	shalt  }
0x7f: {  	_ =	shalt  }
0x80: {  	_ =	shalt  }
0x81: {  	_ =	shalt  }
0x82: {  	_ =	shalt  }
0x83: {  	_ =	shalt  }
0x84: {  	_ =	shalt  }
0x85: {  	_ =	shalt  }
0x86: {  	_ =	shalt  }
0x87: {  	_ =	shalt  }
.Lfunc_end0:
.L_simem_size_0:
called_computation_lowered:
.L_overlay_start_0:
0x88: {  	s2 =	sld [smem:$0x3FD9]  }
0x89: {  	s3 =	sld [smem:$0x3FFE];
	_ =	sdelay $0x1  }
0x8a: {  	s1 =	srdreg.scid  }
0x8b: {  	s0 =	sand.u32 $0x1, s1  }
0x8c: {  	s14 =	sshll.u32 s0, $0xA;
	s2 =	sadd.s32 s3, s2  }
0x8d: {  	s2 =	sadd.s32 s2, s14  }
0x8e: {  	[smem:$0x3FC4] =	sst s2  }
0x8f: {  	_ = 	snop  }
0x90: {  	s2 =	sld [smem:$0x3FD0];
	_ =	sdelay $0x1  }
0x91: {  	s15 =	sld [smem:$0x3FC9]  }
0x92: {  	s5 =	simm.s32 $0xA;
	s6 =	simm.s32 $0x10;
	s4 =	sld [smem:$0x3FC8]  }
0x93: {  	[smem:s6], [sflag:s5] =	dma.local [hbm:s2], $0x1  }
0x94: {  	_ =	swait.eq [sflag:s5], $0x1  }
0x95: {  	[sflag:s5] =	ssyncset.done $0x0  }
0x96: {  	s16 =	sld [smem:$0x10];
	[sflag:s5] =	ssyncadd.s32 $0xFFFFFFFF  }
0x97: {  	s17 =	sld [smem:$0x11];
	(tm) =	ssettm $0x1  }
0x98: {  	s18 =	sld [smem:$0x3FFB];
	_ =	sdelay $0x3  }
0x99: {  	_ =	strace s18  }
0x9a: {  	s6 =	sld [smem:$0x3FFC];
	_ =	sdelay $0x3  }
0x9b: {  	_ =	strace s6  }
0x9c: {  	s6 =	sld [smem:$0x3FFD];
	_ =	sdelay $0x3  }
0x9d: {  	_ =	strace s6  }
0x9e: {  	_ =	strace $0x8FFFFFFF  }
0x9f: {  	s19 =	sld [smem:$0x3FDB];
	_ =	sdelay $0x1  }
0xa0: {  	s7 =	simm.s32 $_scs_section_size  }
0xa1: {  	s8 =	simm.s32 $_size__tile_overlayer_lowered;
	s9 =	simm.s32 $_tile_overlayer_lowered  }
0xa2: {  	s22 =	simm.s32 $0x1BFF;
	s21 =	sshll.u32 s9, $0x1;
	s6 =	sadd.s32 s7, s19  }
0xa3: {  	s10 =	simm.s32 $0x0;
	s20 =	sshll.u32 s8, $0x1;
	s8 =	sadd.s32 s21, s6  }
0xa4: {  	[timem:s10], [sflag:s22] =	dma.local [hbm:s8], s20  }
0xa5: {  	_ =	swait.ge [sflag:s22], s20  }
0xa6: {  	s7 =	ssub.s32 $0x0, s20;
	[sflag:s22] =	ssyncset.done $0x0  }
0xa7: {  	[sflag:s22] =	ssyncadd.s32 s7;
	_ =	sdelay $0x1  }
0xa8: {  	s23 =	simm.s32 $0x1B8B  }
0xa9: {  	_ =	swait.ge [sflag:s23], $0x1  }
0xaa: {  	[sflag:s23] =	ssyncset.done $0x0  }
0xab: {  	s25 =	simm.s32 $0x1B8E;
	s24 =	sld [smem:$0x3FFE];
	[sflag:s23] =	ssyncadd.s32 $0xFFFFFFFF  }
0xac: {  	s26 =	simm.s32 $execute0_lowered;
	[smem:$0x3FD2] =	sst s25  }
0xad: {  	s8 =	sshll.u32 s26, $0x1;
	_ =	strace $0x80000046;
	[dreg:$0x1] =	wrdreg $0xFFFFFFFF  }
0xae: {  	s28 =	simm.s32 $_size_execute0_lowered;
	s6 =	sadd.s32 s6, s8;
	[dreg:$0x0] =	wrdreg $0x0  }
0xaf: {  	s8 =	sshll.u32 s28, $0x1;
	[dreg:$0x2] =	wrdreg s6  }
0xb0: {  	[dreg:$0x3] =	wrdreg s8  }
0xb1: {  	[dreg:$0x4] =	wrdreg $0xC0  }
0xb2: {  	_ =	task [dreg:s10], $0x5FFFF  }
0xb3: {  	[dreg:$0x1] =	wrdreg $0xFFFFFFFF  }
0xb4: {  	[dreg:$0x0] =	wrdreg $0x60  }
0xb5: {  	[dreg:$0x2] =	wrdreg s15  }
0xb6: {  	[dreg:$0x3] =	wrdreg s4  }
0xb7: {  	[dreg:$0x4] =	wrdreg s24  }
0xb8: {  	[dreg:$0x5] =	wrdreg s16  }
0xb9: {  	[dreg:$0x6] =	wrdreg s17  }
0xba: {  	[dreg:$0x7] =	wrdreg $0x9  }
0xbb: {  	_ =	task.clear_ibuf [dreg:s10], $0x8FFFF;
	_ =	strace $0x90000046  }
0xbc: {  	s29 =	simm.s32 $0x9;
	_ =	strace $0x80000048  }
0xbd: {  	_ =	swait.ge [sflag:s29], $0x1  }
0xbe: {  	[sflag:s29] =	ssyncadd.s32 $0xFFFFFFFF  }
0xbf: {  	_ =	strace $0x90000048  }
0xc0: {  	_ =	sfence  }
0xc1: {  	s30 =	sld [smem:$0x0];
	_ =	sdelay $0x2  }
0xc2: {  	s31 =	sshll.u32 s1, $0xD;
	s1 =	sshrl.u32 s1, $0x2  }
0xc3: {  	s3 =	sand.u32 $0x4000, s31;
	s1 =	sadd.s32 s1, s30  }
0xc4: {  	s0 =	sor.u32 s3, s0;
	s1 =	sshll.u32 s1, $0x11  }
0xc5: {  	s0 =	sor.u32 s1, s0  }
0xc6: {  	s0 =	sadd.s32 $0x8F2B, s0  }
0xc7: {  	[sflag:s0] =	ssyncadd.remote.s32 $0x1  }
0xc8: {  	_ =	sfence.sel $0xFFFF  }
0xc9: {  	[dreg:$0x0] =	wrdreg $0xFFFFFFFF;
	(pc) =	sbr.abs _section_cstart, $3  }
0xca: {  	[dreg:$0x1] =	wrdreg $0xFFFFFFFF  }
0xcb: {  	_ =	task.clear_ibuf [dreg:s10], $0x2FFFF;
	_ =	strace $0x9FFFFFFF  }
0xcc: {  	(tm) =	ssettm $0x7FFFFFFF  }
0xcd: {  	_ =	shalt  }
tec
execute0_lowered:
.L_overlay_start_1:
0x0: {  	(tag) =	ssettag $0x1  }
0x1: {  	s0 =	rddreg [dreg:$0x0]  }
0x2: {  	s1 =	rddreg [dreg:$0x1]  }
0x3: {  	s4 =	rddreg [dreg:$0x2]  }
0x4: {  	s5 =	rddreg [dreg:$0x3]  }
0x5: {  	s8 =	rddreg [dreg:$0x4];
	s2 =	simm.s32 $0x0;
	s3 =	srdreg.scid  }
0x6: {  	s9 =	stileid.u32;
	s11 =	simm.s32 $0x80;
	s12 =	simm.s32 $0x400  }
0x7: {  	s13 =	simm.s32 $0x1;
	s6 =	sand.u32 $0x1, s3;
	s9 =	sshll.u32 s9, $0x1  }
0x8: {  	s15 =	simm.s32 $0x0;
	[smem:$0x7FF] =	sst s2;
	s9 =	sor.u32 s6, s9  }
0x9: {  	s3 =	sadd.s32 $0xF42A00, s4;
	s7 =	ssub.s32 $0x2, s6;
	s6 =	sshll.u32 s9, $0x6  }
0xa: {  	s4 =	sadd.s32 $0x600, s4;
	_ =	strace $0x80000047;
	s0 =	sadd.s32 s0, s6  }
0xb: {  	s30 =	sshll.u32 s9, $0xC;
	s29 =	sadd.s32 s1, s6;
	[dreg:$0x6] =	wrdreg s0  }
0xc: {  	s10 =	sshrl.u32 s7, $0x1;
	s31 =	sadd.s32 s5, s30;
	[dreg:$0x7] =	wrdreg s29  }
0xd: {  	s10 =	ssub.s32 s7, s10;
	[dreg:$0x8] =	wrdreg s31;
	s0 =	sadd.s32 s8, s30  }
0xe: {  	s9 =	smax.u32 s10, $0x1;
	s10 =	simm.s32 $0x2;
	[dreg:$0x9] =	wrdreg s0  }
.LBB2_1:
0xf: {  	s0 =	rddreg [dreg:$0x6]  }
0x10: {  	[tilespmem:s2], [sflag:$0x2] =	stream.linear.gather [hbm4b:s0+s2], $0x200, $0x38;
	[tilespmem:$0x10400] =	vst v63  }
0x11: {  	_ =	swait.ge [sflag:s10], $0x200  }
0x12: {  	[sflag:s10] =	ssyncset.done $0x0  }
0x13: {  	s16 =	simm.s32 $0x200;
	s23 =	rddreg [dreg:$0x7];
	[sflag:s10] =	ssyncadd.s32 $0xFFFFFE00  }
0x14: {  	[tilespmem:s16], [sflag:$0x2] =	stream.linear.gather [hbm4b:s23+s2], $0x200, $0x38;
	[tilespmem:$0x10400] =	vst v63  }
0x15: {  	_ =	swait.ge [sflag:s10], $0x200  }
0x16: {  	[sflag:s10] =	ssyncset.done $0x0  }
0x17: {  	[sflag:s10] =	ssyncadd.s32 $0xFFFFFE00  }
0x18: {  	v0 =	vld [tilespmem:s2+$0x0];
	_ =	sdelay $0x3  }
0x19: {  	v63 =	vld [tilespmem:s16+$0x0]  }
0x1a: {  	v1 =	vshll.u32 v0, $0x4  }
0x1b: {  	(v2sf) =	vpush v1, $0x0  }
0x1c: {  	(v2sf) =	vpush v1, $0x1  }
0x1d: {  	(v2sf) =	vpush v1, $0x2  }
0x1e: {  	v0 =	vshll.u32 v63, $0x4  }
0x1f: {  	(v2sf) =	vpush v0, $0x0;
	_ =	sdelay $0x6  }
0x20: {  	(v2sf) =	vpush v0, $0x1;
	_ =	sdelay $0x3  }
0x21: {  	s24 =	spop (v2sf)  }
0x22: {  	s0 =	sand.u32 $0x1FFFFFF0, s24;
	s1 =	spop (v2sf)  }
0x23: {  	s5 =	simm.s32 $0x400;
	s0 =	sadd.s32 s3, s0;
	s14 =	spop (v2sf)  }
0x24: {  	[tilespmem:s5], [sflag:$0x1] =	stream.strided.gather [hbm4b:s0+s11], $0x0, s12, s11, $0x38;
	[tilespmem:$0x10400] =	vst v63  }
0x25: {  	(v2sf) =	vpush v0, $0x2;
	s25 =	spop (v2sf)  }
0x26: {  	[tilespmem:s5], [sflag:$0x1] =	stream.linear.gather [hbm4b:s0+s2], $0x40, $0x38;
	[tilespmem:$0x10400] =	vst v63  }
0x27: {  	s0 =	sand.u32 $0x1FFFFFF0, s25  }
0x28: {  	s26 =	simm.s32 $0x8400;
	s0 =	sadd.s32 s4, s0  }
0x29: {  	(v2sf) =	vpush v1, $0x3;
	[tilespmem:s26], [sflag:$0x1] =	stream.strided.gather [hbm4b:s0+s11], $0x0, s12, s11, $0x38;
	[tilespmem:$0x10400] =	vst v63  }
0x2a: {  	s1 =	sand.u32 $0x1FFFFFF0, s1  }
0x2b: {  	[tilespmem:s26], [sflag:$0x1] =	stream.linear.gather [hbm4b:s0+s2], $0x40, $0x38;
	[tilespmem:$0x10400] =	vst v63  }
0x2c: {  	s29 =	simm.s32 $0x440;
	s1 =	sadd.s32 s3, s1;
	s28 =	spop (v2sf)  }
0x2d: {  	(v2sf) =	vpush v0, $0x3;
	[tilespmem:s29], [sflag:$0x1] =	stream.strided.gather [hbm4b:s1+s11], $0x0, s12, s11, $0x38;
	[tilespmem:$0x10400] =	vst v63  }
0x2e: {  	s0 =	sand.u32 $0x1FFFFFF0, s28  }
0x2f: {  	[tilespmem:s29], [sflag:$0x1] =	stream.linear.gather [hbm4b:s1+s2], $0x40, $0x38;
	[tilespmem:$0x10400] =	vst v63  }
0x30: {  	s30 =	simm.s32 $0x8440;
	s0 =	sadd.s32 s4, s0  }
0x31: {  	(v2sf) =	vpush v1, $0x4;
	[tilespmem:s30], [sflag:$0x1] =	stream.strided.gather [hbm4b:s0+s11], $0x0, s12, s11, $0x38;
	[tilespmem:$0x10400] =	vst v63  }
0x32: {  	s31 =	sand.u32 $0x1FFFFFF0, s14  }
0x33: {  	[tilespmem:s30], [sflag:$0x1] =	stream.linear.gather [hbm4b:s0+s2], $0x40, $0x38;
	[tilespmem:$0x10400] =	vst v63  }
0x34: {  	s7 =	simm.s32 $0x480;
	s5 =	sadd.s32 s3, s31;
	s6 =	spop (v2sf)  }
0x35: {  	(v2sf) =	vpush v0, $0x4;
	[tilespmem:s7], [sflag:$0x1] =	stream.strided.gather [hbm4b:s5+s11], $0x0, s12, s11, $0x38;
	[tilespmem:$0x10400] =	vst v63  }
0x36: {  	s0 =	sand.u32 $0x1FFFFFF0, s6  }
0x37: {  	[tilespmem:s7], [sflag:$0x1] =	stream.linear.gather [hbm4b:s5+s2], $0x40, $0x38;
	[tilespmem:$0x10400] =	vst v63  }
0x38: {  	s14 =	simm.s32 $0x8480;
	s8 =	spop (v2sf);
	s0 =	sadd.s32 s4, s0  }
0x39: {  	(v2sf) =	vpush v1, $0x5;
	[tilespmem:s14], [sflag:$0x1] =	stream.strided.gather [hbm4b:s0+s11], $0x0, s12, s11, $0x38;
	[tilespmem:$0x10400] =	vst v63  }
0x3a: {  	s1 =	sand.u32 $0x1FFFFFF0, s8  }
0x3b: {  	[tilespmem:s14], [sflag:$0x1] =	stream.linear.gather [hbm4b:s0+s2], $0x40, $0x38;
	[tilespmem:$0x10400] =	vst v63  }
0x3c: {  	s18 =	simm.s32 $0x4C0;
	s17 =	spop (v2sf);
	s1 =	sadd.s32 s3, s1  }
0x3d: {  	(v2sf) =	vpush v0, $0x5;
	[tilespmem:s18], [sflag:$0x1] =	stream.strided.gather [hbm4b:s1+s11], $0x0, s12, s11, $0x38;
	[tilespmem:$0x10400] =	vst v63  }
0x3e: {  	s0 =	sand.u32 $0x1FFFFFF0, s17  }
0x3f: {  	[tilespmem:s18], [sflag:$0x1] =	stream.linear.gather [hbm4b:s1+s2], $0x40, $0x38;
	[tilespmem:$0x10400] =	vst v63  }
0x40: {  	s20 =	simm.s32 $0x84C0;
	s19 =	spop (v2sf);
	s0 =	sadd.s32 s4, s0  }
0x41: {  	(v2sf) =	vpush v1, $0x6;
	[tilespmem:s20], [sflag:$0x1] =	stream.strided.gather [hbm4b:s0+s11], $0x0, s12, s11, $0x38;
	[tilespmem:$0x10400] =	vst v63  }
0x42: {  	s1 =	sand.u32 $0x1FFFFFF0, s19  }
0x43: {  	[tilespmem:s20], [sflag:$0x1] =	stream.linear.gather [hbm4b:s0+s2], $0x40, $0x38;
	[tilespmem:$0x10400] =	vst v63  }
0x44: {  	s22 =	simm.s32 $0x500;
	s21 =	spop (v2sf);
	s1 =	sadd.s32 s3, s1  }
0x45: {  	(v2sf) =	vpush v0, $0x6;
	[tilespmem:s22], [sflag:$0x1] =	stream.strided.gather [hbm4b:s1+s11], $0x0, s12, s11, $0x38;
	[tilespmem:$0x10400] =	vst v63  }
0x46: {  	s0 =	sand.u32 $0x1FFFFFF0, s21  }
0x47: {  	[tilespmem:s22], [sflag:$0x1] =	stream.linear.gather [hbm4b:s1+s2], $0x40, $0x38;
	[tilespmem:$0x10400] =	vst v63  }
0x48: {  	s24 =	simm.s32 $0x8500;
	s23 =	spop (v2sf);
	s0 =	sadd.s32 s4, s0  }
0x49: {  	(v2sf) =	vpush v1, $0x7;
	[tilespmem:s24], [sflag:$0x1] =	stream.strided.gather [hbm4b:s0+s11], $0x0, s12, s11, $0x38;
	[tilespmem:$0x10400] =	vst v63  }
0x4a: {  	s1 =	sand.u32 $0x1FFFFFF0, s23  }
0x4b: {  	[tilespmem:s24], [sflag:$0x1] =	stream.linear.gather [hbm4b:s0+s2], $0x40, $0x38;
	[tilespmem:$0x10400] =	vst v63  }
0x4c: {  	s26 =	simm.s32 $0x540;
	s25 =	spop (v2sf);
	s1 =	sadd.s32 s3, s1  }
0x4d: {  	(v2sf) =	vpush v0, $0x7;
	[tilespmem:s26], [sflag:$0x1] =	stream.strided.gather [hbm4b:s1+s11], $0x0, s12, s11, $0x38;
	[tilespmem:$0x10400] =	vst v63  }
0x4e: {  	s0 =	sand.u32 $0x1FFFFFF0, s25  }
0x4f: {  	[tilespmem:s26], [sflag:$0x1] =	stream.linear.gather [hbm4b:s1+s2], $0x40, $0x38;
	[tilespmem:$0x10400] =	vst v63  }
0x50: {  	s29 =	simm.s32 $0x8540;
	s28 =	spop (v2sf);
	s0 =	sadd.s32 s4, s0  }
0x51: {  	(v2sf) =	vpush v1, $0x8;
	[tilespmem:s29], [sflag:$0x1] =	stream.strided.gather [hbm4b:s0+s11], $0x0, s12, s11, $0x38;
	[tilespmem:$0x10400] =	vst v63  }
0x52: {  	s1 =	sand.u32 $0x1FFFFFF0, s28  }
0x53: {  	[tilespmem:s29], [sflag:$0x1] =	stream.linear.gather [hbm4b:s0+s2], $0x40, $0x38;
	[tilespmem:$0x10400] =	vst v63  }
0x54: {  	s31 =	simm.s32 $0x580;
	s30 =	spop (v2sf);
	s1 =	sadd.s32 s3, s1  }
0x55: {  	(v2sf) =	vpush v0, $0x8;
	[tilespmem:s31], [sflag:$0x1] =	stream.strided.gather [hbm4b:s1+s11], $0x0, s12, s11, $0x38;
	[tilespmem:$0x10400] =	vst v63  }
0x56: {  	s0 =	sand.u32 $0x1FFFFFF0, s30  }
0x57: {  	[tilespmem:s31], [sflag:$0x1] =	stream.linear.gather [hbm4b:s1+s2], $0x40, $0x38;
	[tilespmem:$0x10400] =	vst v63  }
0x58: {  	s7 =	simm.s32 $0x8580;
	s6 =	spop (v2sf);
	s0 =	sadd.s32 s4, s0  }
0x59: {  	(v2sf) =	vpush v1, $0x9;
	[tilespmem:s7], [sflag:$0x1] =	stream.strided.gather [hbm4b:s0+s11], $0x0, s12, s11, $0x38;
	[tilespmem:$0x10400] =	vst v63  }
0x5a: {  	s1 =	sand.u32 $0x1FFFFFF0, s6  }
0x5b: {  	[tilespmem:s7], [sflag:$0x1] =	stream.linear.gather [hbm4b:s0+s2], $0x40, $0x38;
	[tilespmem:$0x10400] =	vst v63  }
0x5c: {  	s14 =	simm.s32 $0x5C0;
	s8 =	spop (v2sf);
	s1 =	sadd.s32 s3, s1  }
0x5d: {  	(v2sf) =	vpush v0, $0x9;
	[tilespmem:s14], [sflag:$0x1] =	stream.strided.gather [hbm4b:s1+s11], $0x0, s12, s11, $0x38;
	[tilespmem:$0x10400] =	vst v63  }
0x5e: {  	s0 =	sand.u32 $0x1FFFFFF0, s8  }
0x5f: {  	[tilespmem:s14], [sflag:$0x1] =	stream.linear.gather [hbm4b:s1+s2], $0x40, $0x38;
	[tilespmem:$0x10400] =	vst v63  }
0x60: {  	s18 =	simm.s32 $0x85C0;
	s17 =	spop (v2sf);
	s0 =	sadd.s32 s4, s0  }
0x61: {  	(v2sf) =	vpush v1, $0xA;
	[tilespmem:s18], [sflag:$0x1] =	stream.strided.gather [hbm4b:s0+s11], $0x0, s12, s11, $0x38;
	[tilespmem:$0x10400] =	vst v63  }
0x62: {  	s1 =	sand.u32 $0x1FFFFFF0, s17  }
0x63: {  	[tilespmem:s18], [sflag:$0x1] =	stream.linear.gather [hbm4b:s0+s2], $0x40, $0x38;
	[tilespmem:$0x10400] =	vst v63  }
0x64: {  	s20 =	simm.s32 $0x600;
	s19 =	spop (v2sf);
	s1 =	sadd.s32 s3, s1  }
0x65: {  	(v2sf) =	vpush v0, $0xA;
	[tilespmem:s20], [sflag:$0x1] =	stream.strided.gather [hbm4b:s1+s11], $0x0, s12, s11, $0x38;
	[tilespmem:$0x10400] =	vst v63  }
0x66: {  	s0 =	sand.u32 $0x1FFFFFF0, s19  }
0x67: {  	[tilespmem:s20], [sflag:$0x1] =	stream.linear.gather [hbm4b:s1+s2], $0x40, $0x38;
	[tilespmem:$0x10400] =	vst v63  }
0x68: {  	s22 =	simm.s32 $0x8600;
	s21 =	spop (v2sf);
	s0 =	sadd.s32 s4, s0  }
0x69: {  	(v2sf) =	vpush v1, $0xB;
	[tilespmem:s22], [sflag:$0x1] =	stream.strided.gather [hbm4b:s0+s11], $0x0, s12, s11, $0x38;
	[tilespmem:$0x10400] =	vst v63  }
0x6a: {  	s1 =	sand.u32 $0x1FFFFFF0, s21  }
0x6b: {  	[tilespmem:s22], [sflag:$0x1] =	stream.linear.gather [hbm4b:s0+s2], $0x40, $0x38;
	[tilespmem:$0x10400] =	vst v63  }
0x6c: {  	s24 =	simm.s32 $0x640;
	s23 =	spop (v2sf);
	s1 =	sadd.s32 s3, s1  }
0x6d: {  	(v2sf) =	vpush v0, $0xB;
	[tilespmem:s24], [sflag:$0x1] =	stream.strided.gather [hbm4b:s1+s11], $0x0, s12, s11, $0x38;
	[tilespmem:$0x10400] =	vst v63  }
0x6e: {  	s0 =	sand.u32 $0x1FFFFFF0, s23  }
0x6f: {  	[tilespmem:s24], [sflag:$0x1] =	stream.linear.gather [hbm4b:s1+s2], $0x40, $0x38;
	[tilespmem:$0x10400] =	vst v63  }
0x70: {  	s26 =	simm.s32 $0x8640;
	s25 =	spop (v2sf);
	s0 =	sadd.s32 s4, s0  }
0x71: {  	(v2sf) =	vpush v1, $0xC;
	[tilespmem:s26], [sflag:$0x1] =	stream.strided.gather [hbm4b:s0+s11], $0x0, s12, s11, $0x38;
	[tilespmem:$0x10400] =	vst v63  }
0x72: {  	s1 =	sand.u32 $0x1FFFFFF0, s25  }
0x73: {  	[tilespmem:s26], [sflag:$0x1] =	stream.linear.gather [hbm4b:s0+s2], $0x40, $0x38;
	[tilespmem:$0x10400] =	vst v63  }
0x74: {  	s29 =	simm.s32 $0x680;
	s28 =	spop (v2sf);
	s1 =	sadd.s32 s3, s1  }
0x75: {  	(v2sf) =	vpush v0, $0xC;
	[tilespmem:s29], [sflag:$0x1] =	stream.strided.gather [hbm4b:s1+s11], $0x0, s12, s11, $0x38;
	[tilespmem:$0x10400] =	vst v63  }
0x76: {  	s0 =	sand.u32 $0x1FFFFFF0, s28  }
0x77: {  	[tilespmem:s29], [sflag:$0x1] =	stream.linear.gather [hbm4b:s1+s2], $0x40, $0x38;
	[tilespmem:$0x10400] =	vst v63  }
0x78: {  	s31 =	simm.s32 $0x8680;
	s30 =	spop (v2sf);
	s0 =	sadd.s32 s4, s0  }
0x79: {  	(v2sf) =	vpush v1, $0xD;
	[tilespmem:s31], [sflag:$0x1] =	stream.strided.gather [hbm4b:s0+s11], $0x0, s12, s11, $0x38;
	[tilespmem:$0x10400] =	vst v63  }
0x7a: {  	s1 =	sand.u32 $0x1FFFFFF0, s30  }
0x7b: {  	[tilespmem:s31], [sflag:$0x1] =	stream.linear.gather [hbm4b:s0+s2], $0x40, $0x38;
	[tilespmem:$0x10400] =	vst v63  }
0x7c: {  	s6 =	simm.s32 $0x6C0;
	s5 =	spop (v2sf);
	s1 =	sadd.s32 s3, s1  }
0x7d: {  	(v2sf) =	vpush v0, $0xD;
	[tilespmem:s6], [sflag:$0x1] =	stream.strided.gather [hbm4b:s1+s11], $0x0, s12, s11, $0x38;
	[tilespmem:$0x10400] =	vst v63  }
0x7e: {  	s0 =	sand.u32 $0x1FFFFFF0, s5  }
0x7f: {  	[tilespmem:s6], [sflag:$0x1] =	stream.linear.gather [hbm4b:s1+s2], $0x40, $0x38;
	[tilespmem:$0x10400] =	vst v63  }
0x80: {  	s8 =	simm.s32 $0x86C0;
	s7 =	spop (v2sf);
	s0 =	sadd.s32 s4, s0  }
0x81: {  	(v2sf) =	vpush v1, $0xE;
	[tilespmem:s8], [sflag:$0x1] =	stream.strided.gather [hbm4b:s0+s11], $0x0, s12, s11, $0x38;
	[tilespmem:$0x10400] =	vst v63  }
0x82: {  	s1 =	sand.u32 $0x1FFFFFF0, s7  }
0x83: {  	[tilespmem:s8], [sflag:$0x1] =	stream.linear.gather [hbm4b:s0+s2], $0x40, $0x38;
	[tilespmem:$0x10400] =	vst v63  }
0x84: {  	s17 =	simm.s32 $0x700;
	s14 =	spop (v2sf);
	s1 =	sadd.s32 s3, s1  }
0x85: {  	(v2sf) =	vpush v0, $0xE;
	[tilespmem:s17], [sflag:$0x1] =	stream.strided.gather [hbm4b:s1+s11], $0x0, s12, s11, $0x38;
	[tilespmem:$0x10400] =	vst v63  }
0x86: {  	s0 =	sand.u32 $0x1FFFFFF0, s14  }
0x87: {  	[tilespmem:s17], [sflag:$0x1] =	stream.linear.gather [hbm4b:s1+s2], $0x40, $0x38;
	[tilespmem:$0x10400] =	vst v63  }
0x88: {  	s19 =	simm.s32 $0x8700;
	s18 =	spop (v2sf);
	s0 =	sadd.s32 s4, s0  }
0x89: {  	(v2sf) =	vpush v1, $0xF;
	[tilespmem:s19], [sflag:$0x1] =	stream.strided.gather [hbm4b:s0+s11], $0x0, s12, s11, $0x38;
	[tilespmem:$0x10400] =	vst v63  }
0x8a: {  	s1 =	sand.u32 $0x1FFFFFF0, s18  }
0x8b: {  	[tilespmem:s19], [sflag:$0x1] =	stream.linear.gather [hbm4b:s0+s2], $0x40, $0x38;
	[tilespmem:$0x10400] =	vst v63  }
0x8c: {  	s21 =	simm.s32 $0x740;
	s20 =	spop (v2sf);
	s1 =	sadd.s32 s3, s1  }
0x8d: {  	(v2sf) =	vpush v0, $0xF;
	[tilespmem:s21], [sflag:$0x1] =	stream.strided.gather [hbm4b:s1+s11], $0x0, s12, s11, $0x38;
	[tilespmem:$0x10400] =	vst v63  }
0x8e: {  	s0 =	sand.u32 $0x1FFFFFF0, s20  }
0x8f: {  	[tilespmem:s21], [sflag:$0x1] =	stream.linear.gather [hbm4b:s1+s2], $0x40, $0x38;
	[tilespmem:$0x10400] =	vst v63  }
0x90: {  	s23 =	simm.s32 $0x8740;
	s22 =	spop (v2sf);
	s0 =	sadd.s32 s4, s0  }
0x91: {  	[tilespmem:s23], [sflag:$0x1] =	stream.strided.gather [hbm4b:s0+s11], $0x0, s12, s11, $0x38;
	[tilespmem:$0x10400] =	vst v63  }
0x92: {  	s1 =	sand.u32 $0x1FFFFFF0, s22  }
0x93: {  	[tilespmem:s23], [sflag:$0x1] =	stream.linear.gather [hbm4b:s0+s2], $0x40, $0x38;
	[tilespmem:$0x10400] =	vst v63  }
0x94: {  	s25 =	simm.s32 $0x780;
	s24 =	spop (v2sf);
	s1 =	sadd.s32 s3, s1  }
0x95: {  	[tilespmem:s25], [sflag:$0x1] =	stream.strided.gather [hbm4b:s1+s11], $0x0, s12, s11, $0x38;
	[tilespmem:$0x10400] =	vst v63  }
0x96: {  	s0 =	sand.u32 $0x1FFFFFF0, s24  }
0x97: {  	[tilespmem:s25], [sflag:$0x1] =	stream.linear.gather [hbm4b:s1+s2], $0x40, $0x38;
	[tilespmem:$0x10400] =	vst v63  }
0x98: {  	s28 =	simm.s32 $0x8780;
	s26 =	spop (v2sf);
	s0 =	sadd.s32 s4, s0  }
0x99: {  	[tilespmem:s28], [sflag:$0x1] =	stream.strided.gather [hbm4b:s0+s11], $0x0, s12, s11, $0x38;
	[tilespmem:$0x10400] =	vst v63  }
0x9a: {  	s1 =	sand.u32 $0x1FFFFFF0, s26  }
0x9b: {  	[tilespmem:s28], [sflag:$0x1] =	stream.linear.gather [hbm4b:s0+s2], $0x40, $0x38;
	[tilespmem:$0x10400] =	vst v63  }
0x9c: {  	s30 =	simm.s32 $0x7C0;
	s29 =	spop (v2sf);
	s1 =	sadd.s32 s3, s1  }
0x9d: {  	[tilespmem:s30], [sflag:$0x1] =	stream.strided.gather [hbm4b:s1+s11], $0x0, s12, s11, $0x38;
	[tilespmem:$0x10400] =	vst v63  }
0x9e: {  	s17 =	simm.s32 $0x1000;
	s31 =	sand.u32 $0x1FFFFFF0, s29  }
0x9f: {  	[tilespmem:s30], [sflag:$0x1] =	stream.linear.gather [hbm4b:s1+s2], $0x40, $0x38;
	[tilespmem:$0x10400] =	vst v63  }
0xa0: {  	s18 =	simm.s32 $0x0;
	s0 =	simm.s32 $0x87C0;
	s1 =	sadd.s32 s4, s31  }
0xa1: {  	[tilespmem:s0], [sflag:$0x1] =	stream.strided.gather [hbm4b:s1+s11], $0x0, s12, s11, $0x38;
	[tilespmem:$0x10400] =	vst v63  }
.LBB2_2:
0xa2: {  	p0 =	sne.s32 s17, $0x1F000;
	s18 =	sadd.s32 $0x10, s18;
	s16 =	sadd.s32 $0x10, s16  }
0xa3: {  	[tilespmem:s0], [sflag:$0x1] =	stream.linear.gather [hbm4b:s1+s2], $0x40, $0x38;
	[tilespmem:$0x10400] =	vst v63  }
0xa4: {  	s0 =	smov.u32 s17;
	s17 =	sadd.s32 $0x1000, s17;
	v0 =	vld [tilespmem:s18+$0x0];
	_ =	sdelay $0x3  }
0xa5: {  	v1 =	vld [tilespmem:s16+$0x0]  }
0xa6: {  	v0 =	vshll.u32 v0, $0x4  }
0xa7: {  	(v2sf) =	vpush v0, $0x0  }
0xa8: {  	(v2sf) =	vpush v0, $0x1  }
0xa9: {  	(v2sf) =	vpush v0, $0x2  }
0xaa: {  	v1 =	vshll.u32 v1, $0x4  }
0xab: {  	(v2sf) =	vpush v1, $0x0;
	_ =	sdelay $0x1  }
0xac: {  	(v2sf) =	vpush v1, $0x1  }
0xad: {  	(v2sf) =	vpush v1, $0x2;
	_ =	sdelay $0x3  }
0xae: {  	(v2sf) =	vpush v0, $0x3;
	_ =	sdelay $0x3  }
0xaf: {  	s1 =	spop (v2sf);
	(v2sf) =	vpush v1, $0x3  }
0xb0: {  	s19 =	sshra.s32 s0, $0x2;
	s0 =	sand.u32 $0x1FFFFFF0, s1;
	s1 =	spop (v2sf)  }
0xb1: {  	s5 =	sadd.s32 $0x400, s19;
	s0 =	sadd.s32 s3, s0;
	s14 =	spop (v2sf)  }
0xb2: {  	[tilespmem:s5], [sflag:$0x1] =	stream.strided.gather [hbm4b:s0+s11], $0x0, s12, s11, $0x38;
	[tilespmem:$0x10400] =	vst v63  }
0xb3: {  	s1 =	sand.u32 $0x1FFFFFF0, s1;
	s14 =	sand.u32 $0x1FFFFFF0, s14;
	s20 =	spop (v2sf);
	(v2sf) =	vpush v0, $0x4  }
0xb4: {  	[tilespmem:s5], [sflag:$0x1] =	stream.linear.gather [hbm4b:s0+s2], $0x40, $0x38;
	[tilespmem:$0x10400] =	vst v63  }
0xb5: {  	s0 =	sadd.s32 $0x8400, s19;
	s5 =	sand.u32 $0x1FFFFFF0, s20;
	s20 =	spop (v2sf);
	(v2sf) =	vpush v1, $0x4  }
0xb6: {  	s5 =	sadd.s32 s4, s5;
	s20 =	sand.u32 $0x1FFFFFF0, s20;
	s21 =	spop (v2sf)  }
0xb7: {  	[tilespmem:s0], [sflag:$0x1] =	stream.strided.gather [hbm4b:s5+s11], $0x0, s12, s11, $0x38;
	(v2sf) =	vpush v0, $0x5;
	[tilespmem:$0x10400] =	vst v63  }
0xb8: {  	s22 =	sadd.s32 $0x440, s19;
	s1 =	sadd.s32 s3, s1;
	s21 =	sand.u32 $0x1FFFFFF0, s21  }
0xb9: {  	[tilespmem:s0], [sflag:$0x1] =	stream.linear.gather [hbm4b:s5+s2], $0x40, $0x38;
	(v2sf) =	vpush v1, $0x5;
	[tilespmem:$0x10400] =	vst v63  }
0xba: {  	s0 =	spop (v2sf)  }
0xbb: {  	[tilespmem:s22], [sflag:$0x1] =	stream.strided.gather [hbm4b:s1+s11], $0x0, s12, s11, $0x38;
	(v2sf) =	vpush v0, $0x6;
	[tilespmem:$0x10400] =	vst v63  }
0xbc: {  	s20 =	sadd.s32 s4, s20;
	s5 =	sadd.s32 $0x8440, s19;
	s0 =	sand.u32 $0x1FFFFFF0, s0  }
0xbd: {  	[tilespmem:s22], [sflag:$0x1] =	stream.linear.gather [hbm4b:s1+s2], $0x40, $0x38;
	(v2sf) =	vpush v1, $0x6;
	[tilespmem:$0x10400] =	vst v63  }
0xbe: {  	s1 =	spop (v2sf)  }
0xbf: {  	[tilespmem:s5], [sflag:$0x1] =	stream.strided.gather [hbm4b:s20+s11], $0x0, s12, s11, $0x38;
	(v2sf) =	vpush v0, $0x7;
	[tilespmem:$0x10400] =	vst v63  }
0xc0: {  	s14 =	sadd.s32 s3, s14;
	s22 =	sadd.s32 $0x480, s19;
	s23 =	sand.u32 $0x1FFFFFF0, s1  }
0xc1: {  	[tilespmem:s5], [sflag:$0x1] =	stream.linear.gather [hbm4b:s20+s2], $0x40, $0x38;
	(v2sf) =	vpush v1, $0x7;
	[tilespmem:$0x10400] =	vst v63  }
0xc2: {  	s1 =	spop (v2sf)  }
0xc3: {  	[tilespmem:s22], [sflag:$0x1] =	stream.strided.gather [hbm4b:s14+s11], $0x0, s12, s11, $0x38;
	(v2sf) =	vpush v0, $0x8;
	[tilespmem:$0x10400] =	vst v63  }
0xc4: {  	s5 =	sadd.s32 $0x8480, s19;
	s20 =	sadd.s32 s4, s21;
	s21 =	spop (v2sf)  }
0xc5: {  	[tilespmem:s22], [sflag:$0x1] =	stream.linear.gather [hbm4b:s14+s2], $0x40, $0x38;
	(v2sf) =	vpush v1, $0x8;
	[tilespmem:$0x10400] =	vst v63  }
0xc6: {  	s14 =	sand.u32 $0x1FFFFFF0, s1;
	s21 =	sand.u32 $0x1FFFFFF0, s21;
	s1 =	spop (v2sf)  }
0xc7: {  	[tilespmem:s5], [sflag:$0x1] =	stream.strided.gather [hbm4b:s20+s11], $0x0, s12, s11, $0x38;
	(v2sf) =	vpush v0, $0x9;
	[tilespmem:$0x10400] =	vst v63  }
0xc8: {  	s0 =	sadd.s32 s3, s0;
	s22 =	sadd.s32 $0x4C0, s19;
	s24 =	spop (v2sf)  }
0xc9: {  	[tilespmem:s5], [sflag:$0x1] =	stream.linear.gather [hbm4b:s20+s2], $0x40, $0x38;
	(v2sf) =	vpush v1, $0x9;
	[tilespmem:$0x10400] =	vst v63  }
0xca: {  	s5 =	sand.u32 $0x1FFFFFF0, s1;
	s1 =	sand.u32 $0x1FFFFFF0, s24;
	s20 =	spop (v2sf)  }
0xcb: {  	[tilespmem:s22], [sflag:$0x1] =	stream.strided.gather [hbm4b:s0+s11], $0x0, s12, s11, $0x38;
	(v2sf) =	vpush v0, $0xA;
	[tilespmem:$0x10400] =	vst v63  }
0xcc: {  	s25 =	sadd.s32 $0x84C0, s19;
	s23 =	sadd.s32 s4, s23;
	s26 =	spop (v2sf)  }
0xcd: {  	[tilespmem:s22], [sflag:$0x1] =	stream.linear.gather [hbm4b:s0+s2], $0x40, $0x38;
	(v2sf) =	vpush v1, $0xA;
	[tilespmem:$0x10400] =	vst v63  }
0xce: {  	s24 =	sand.u32 $0x1FFFFFF0, s20;
	s22 =	sand.u32 $0x1FFFFFF0, s26;
	s0 =	spop (v2sf)  }
0xcf: {  	[tilespmem:s25], [sflag:$0x1] =	stream.strided.gather [hbm4b:s23+s11], $0x0, s12, s11, $0x38;
	(v2sf) =	vpush v0, $0xB;
	[tilespmem:$0x10400] =	vst v63  }
0xd0: {  	s14 =	sadd.s32 s3, s14;
	s26 =	sadd.s32 $0x500, s19;
	s20 =	spop (v2sf)  }
0xd1: {  	[tilespmem:s25], [sflag:$0x1] =	stream.linear.gather [hbm4b:s23+s2], $0x40, $0x38;
	(v2sf) =	vpush v1, $0xB;
	[tilespmem:$0x10400] =	vst v63  }
0xd2: {  	s23 =	sand.u32 $0x1FFFFFF0, s0;
	s20 =	sand.u32 $0x1FFFFFF0, s20;
	s0 =	spop (v2sf)  }
0xd3: {  	[tilespmem:s26], [sflag:$0x1] =	stream.strided.gather [hbm4b:s14+s11], $0x0, s12, s11, $0x38;
	(v2sf) =	vpush v0, $0xC;
	[tilespmem:$0x10400] =	vst v63  }
0xd4: {  	s28 =	sadd.s32 s4, s21;
	s25 =	sadd.s32 $0x8500, s19;
	s29 =	spop (v2sf)  }
0xd5: {  	[tilespmem:s26], [sflag:$0x1] =	stream.linear.gather [hbm4b:s14+s2], $0x40, $0x38;
	(v2sf) =	vpush v1, $0xC;
	[tilespmem:$0x10400] =	vst v63  }
0xd6: {  	s21 =	sand.u32 $0x1FFFFFF0, s0;
	s0 =	sand.u32 $0x1FFFFFF0, s29;
	s14 =	spop (v2sf)  }
0xd7: {  	[tilespmem:s25], [sflag:$0x1] =	stream.strided.gather [hbm4b:s28+s11], $0x0, s12, s11, $0x38;
	(v2sf) =	vpush v0, $0xD;
	[tilespmem:$0x10400] =	vst v63  }
0xd8: {  	s26 =	sadd.s32 $0x540, s19;
	s29 =	sadd.s32 s3, s5;
	s30 =	spop (v2sf)  }
0xd9: {  	[tilespmem:s25], [sflag:$0x1] =	stream.linear.gather [hbm4b:s28+s2], $0x40, $0x38;
	(v2sf) =	vpush v1, $0xD;
	[tilespmem:$0x10400] =	vst v63  }
0xda: {  	s5 =	sand.u32 $0x1FFFFFF0, s14;
	s31 =	sand.u32 $0x1FFFFFF0, s30;
	s14 =	spop (v2sf)  }
0xdb: {  	[tilespmem:s26], [sflag:$0x1] =	stream.strided.gather [hbm4b:s29+s11], $0x0, s12, s11, $0x38;
	(v2sf) =	vpush v0, $0xE;
	[tilespmem:$0x10400] =	vst v63  }
0xdc: {  	s1 =	sadd.s32 s4, s1;
	s25 =	sadd.s32 $0x8540, s19;
	s28 =	spop (v2sf)  }
0xdd: {  	[tilespmem:s26], [sflag:$0x1] =	stream.linear.gather [hbm4b:s29+s2], $0x40, $0x38;
	[tilespmem:$0x10400] =	vst v63  }
0xde: {  	s14 =	sand.u32 $0x1FFFFFF0, s14;
	s29 =	sand.u32 $0x1FFFFFF0, s28;
	s26 =	spop (v2sf)  }
0xdf: {  	[tilespmem:s25], [sflag:$0x1] =	stream.strided.gather [hbm4b:s1+s11], $0x0, s12, s11, $0x38;
	(v2sf) =	vpush v1, $0xE;
	[tilespmem:$0x10400] =	vst v63  }
0xe0: {  	s24 =	sadd.s32 s3, s24;
	s28 =	sadd.s32 $0x580, s19;
	s30 =	spop (v2sf)  }
0xe1: {  	[tilespmem:s25], [sflag:$0x1] =	stream.linear.gather [hbm4b:s1+s2], $0x40, $0x38;
	(v2sf) =	vpush v0, $0xF;
	[tilespmem:$0x10400] =	vst v63  }
0xe2: {  	s1 =	sand.u32 $0x1FFFFFF0, s26;
	s26 =	sand.u32 $0x1FFFFFF0, s30;
	s25 =	spop (v2sf)  }
0xe3: {  	[tilespmem:s28], [sflag:$0x1] =	stream.strided.gather [hbm4b:s24+s11], $0x0, s12, s11, $0x38;
	(v2sf) =	vpush v1, $0xF;
	[tilespmem:$0x10400] =	vst v63  }
0xe4: {  	s6 =	sadd.s32 $0x8580, s19;
	s22 =	sadd.s32 s4, s22;
	s7 =	spop (v2sf)  }
0xe5: {  	[tilespmem:s28], [sflag:$0x1] =	stream.linear.gather [hbm4b:s24+s2], $0x40, $0x38;
	[tilespmem:$0x10400] =	vst v63  }
0xe6: {  	s30 =	sand.u32 $0x1FFFFFF0, s25;
	s25 =	sand.u32 $0x1FFFFFF0, s7;
	s7 =	spop (v2sf)  }
0xe7: {  	[tilespmem:s6], [sflag:$0x1] =	stream.strided.gather [hbm4b:s22+s11], $0x0, s12, s11, $0x38;
	[tilespmem:$0x10400] =	vst v63  }
0xe8: {  	s8 =	sadd.s32 $0x5C0, s19;
	s23 =	sadd.s32 s3, s23;
	s24 =	spop (v2sf)  }
0xe9: {  	[tilespmem:s6], [sflag:$0x1] =	stream.linear.gather [hbm4b:s22+s2], $0x40, $0x38;
	[tilespmem:$0x10400] =	vst v63  }
0xea: {  	s28 =	sand.u32 $0x1FFFFFF0, s7;
	s24 =	sand.u32 $0x1FFFFFF0, s24;
	s6 =	spop (v2sf)  }
0xeb: {  	[tilespmem:s8], [sflag:$0x1] =	stream.strided.gather [hbm4b:s23+s11], $0x0, s12, s11, $0x38;
	[tilespmem:$0x10400] =	vst v63  }
0xec: {  	s20 =	sadd.s32 s4, s20;
	s7 =	sadd.s32 $0x85C0, s19;
	s22 =	sand.u32 $0x1FFFFFF0, s6  }
0xed: {  	[tilespmem:s8], [sflag:$0x1] =	stream.linear.gather [hbm4b:s23+s2], $0x40, $0x38;
	[tilespmem:$0x10400] =	vst v63  }
0xee: {  	s23 =	spop (v2sf)  }
0xef: {  	[tilespmem:s7], [sflag:$0x1] =	stream.strided.gather [hbm4b:s20+s11], $0x0, s12, s11, $0x38;
	[tilespmem:$0x10400] =	vst v63  }
0xf0: {  	s6 =	sadd.s32 $0x600, s19;
	s8 =	sadd.s32 s3, s21;
	s21 =	spop (v2sf)  }
0xf1: {  	[tilespmem:s7], [sflag:$0x1] =	stream.linear.gather [hbm4b:s20+s2], $0x40, $0x38;
	[tilespmem:$0x10400] =	vst v63  }
0xf2: {  	s21 =	sand.u32 $0x1FFFFFF0, s21;
	s20 =	spop (v2sf)  }
0xf3: {  	[tilespmem:s6], [sflag:$0x1] =	stream.strided.gather [hbm4b:s8+s11], $0x0, s12, s11, $0x38;
	[tilespmem:$0x10400] =	vst v63  }
0xf4: {  	s0 =	sadd.s32 s4, s0;
	s7 =	sadd.s32 $0x8600, s19  }
0xf5: {  	[tilespmem:s6], [sflag:$0x1] =	stream.linear.gather [hbm4b:s8+s2], $0x40, $0x38;
	[tilespmem:$0x10400] =	vst v63  }
0xf6: {  	_ = 	snop  }
0xf7: {  	[tilespmem:s7], [sflag:$0x1] =	stream.strided.gather [hbm4b:s0+s11], $0x0, s12, s11, $0x38;
	[tilespmem:$0x10400] =	vst v63  }
0xf8: {  	s5 =	sadd.s32 s3, s5;
	s6 =	sadd.s32 $0x640, s19  }
0xf9: {  	[tilespmem:s7], [sflag:$0x1] =	stream.linear.gather [hbm4b:s0+s2], $0x40, $0x38;
	[tilespmem:$0x10400] =	vst v63  }
0xfa: {  	_ = 	snop  }
0xfb: {  	[tilespmem:s6], [sflag:$0x1] =	stream.strided.gather [hbm4b:s5+s11], $0x0, s12, s11, $0x38;
	[tilespmem:$0x10400] =	vst v63  }
0xfc: {  	s0 =	sadd.s32 $0x8640, s19;
	s7 =	sadd.s32 s4, s31  }
0xfd: {  	[tilespmem:s6], [sflag:$0x1] =	stream.linear.gather [hbm4b:s5+s2], $0x40, $0x38;
	[tilespmem:$0x10400] =	vst v63  }
0xfe: {  	_ = 	snop  }
0xff: {  	[tilespmem:s0], [sflag:$0x1] =	stream.strided.gather [hbm4b:s7+s11], $0x0, s12, s11, $0x38;
	[tilespmem:$0x10400] =	vst v63  }
0x100: {  	s5 =	sadd.s32 $0x680, s19;
	s6 =	sadd.s32 s3, s14  }
0x101: {  	[tilespmem:s0], [sflag:$0x1] =	stream.linear.gather [hbm4b:s7+s2], $0x40, $0x38;
	[tilespmem:$0x10400] =	vst v63  }
0x102: {  	_ = 	snop  }
0x103: {  	[tilespmem:s5], [sflag:$0x1] =	stream.strided.gather [hbm4b:s6+s11], $0x0, s12, s11, $0x38;
	[tilespmem:$0x10400] =	vst v63  }
0x104: {  	s0 =	sadd.s32 $0x8680, s19;
	s7 =	sadd.s32 s4, s29  }
0x105: {  	[tilespmem:s5], [sflag:$0x1] =	stream.linear.gather [hbm4b:s6+s2], $0x40, $0x38;
	[tilespmem:$0x10400] =	vst v63  }
0x106: {  	_ = 	snop  }
0x107: {  	[tilespmem:s0], [sflag:$0x1] =	stream.strided.gather [hbm4b:s7+s11], $0x0, s12, s11, $0x38;
	[tilespmem:$0x10400] =	vst v63  }
0x108: {  	s1 =	sadd.s32 s3, s1;
	s5 =	sadd.s32 $0x6C0, s19  }
0x109: {  	[tilespmem:s0], [sflag:$0x1] =	stream.linear.gather [hbm4b:s7+s2], $0x40, $0x38;
	[tilespmem:$0x10400] =	vst v63  }
0x10a: {  	_ = 	snop  }
0x10b: {  	[tilespmem:s5], [sflag:$0x1] =	stream.strided.gather [hbm4b:s1+s11], $0x0, s12, s11, $0x38;
	[tilespmem:$0x10400] =	vst v63  }
0x10c: {  	s6 =	sadd.s32 s4, s26;
	s0 =	sadd.s32 $0x86C0, s19  }
0x10d: {  	[tilespmem:s5], [sflag:$0x1] =	stream.linear.gather [hbm4b:s1+s2], $0x40, $0x38;
	[tilespmem:$0x10400] =	vst v63  }
0x10e: {  	_ = 	snop  }
0x10f: {  	[tilespmem:s0], [sflag:$0x1] =	stream.strided.gather [hbm4b:s6+s11], $0x0, s12, s11, $0x38;
	[tilespmem:$0x10400] =	vst v63  }
0x110: {  	s1 =	sadd.s32 $0x700, s19;
	s5 =	sadd.s32 s3, s30  }
0x111: {  	[tilespmem:s0], [sflag:$0x1] =	stream.linear.gather [hbm4b:s6+s2], $0x40, $0x38;
	[tilespmem:$0x10400] =	vst v63  }
0x112: {  	_ = 	snop  }
0x113: {  	[tilespmem:s1], [sflag:$0x1] =	stream.strided.gather [hbm4b:s5+s11], $0x0, s12, s11, $0x38;
	[tilespmem:$0x10400] =	vst v63  }
0x114: {  	s0 =	sadd.s32 $0x8700, s19;
	s6 =	sadd.s32 s4, s25  }
0x115: {  	[tilespmem:s1], [sflag:$0x1] =	stream.linear.gather [hbm4b:s5+s2], $0x40, $0x38;
	[tilespmem:$0x10400] =	vst v63  }
0x116: {  	_ = 	snop  }
0x117: {  	[tilespmem:s0], [sflag:$0x1] =	stream.strided.gather [hbm4b:s6+s11], $0x0, s12, s11, $0x38;
	[tilespmem:$0x10400] =	vst v63  }
0x118: {  	s1 =	sadd.s32 $0x740, s19;
	s5 =	sadd.s32 s3, s28  }
0x119: {  	[tilespmem:s0], [sflag:$0x1] =	stream.linear.gather [hbm4b:s6+s2], $0x40, $0x38;
	[tilespmem:$0x10400] =	vst v63  }
0x11a: {  	_ = 	snop  }
0x11b: {  	[tilespmem:s1], [sflag:$0x1] =	stream.strided.gather [hbm4b:s5+s11], $0x0, s12, s11, $0x38;
	[tilespmem:$0x10400] =	vst v63  }
0x11c: {  	s0 =	sadd.s32 $0x8740, s19;
	s6 =	sadd.s32 s4, s24  }
0x11d: {  	[tilespmem:s1], [sflag:$0x1] =	stream.linear.gather [hbm4b:s5+s2], $0x40, $0x38;
	[tilespmem:$0x10400] =	vst v63  }
0x11e: {  	_ = 	snop  }
0x11f: {  	[tilespmem:s0], [sflag:$0x1] =	stream.strided.gather [hbm4b:s6+s11], $0x0, s12, s11, $0x38;
	[tilespmem:$0x10400] =	vst v63  }
0x120: {  	s1 =	sadd.s32 $0x780, s19;
	s5 =	sadd.s32 s3, s22  }
0x121: {  	[tilespmem:s0], [sflag:$0x1] =	stream.linear.gather [hbm4b:s6+s2], $0x40, $0x38;
	[tilespmem:$0x10400] =	vst v63  }
0x122: {  	s0 =	sand.u32 $0x1FFFFFF0, s23  }
0x123: {  	[tilespmem:s1], [sflag:$0x1] =	stream.strided.gather [hbm4b:s5+s11], $0x0, s12, s11, $0x38;
	[tilespmem:$0x10400] =	vst v63  }
0x124: {  	s6 =	sadd.s32 $0x8780, s19;
	s0 =	sadd.s32 s4, s0  }
0x125: {  	[tilespmem:s1], [sflag:$0x1] =	stream.linear.gather [hbm4b:s5+s2], $0x40, $0x38;
	[tilespmem:$0x10400] =	vst v63  }
0x126: {  	_ = 	snop  }
0x127: {  	[tilespmem:s6], [sflag:$0x1] =	stream.strided.gather [hbm4b:s0+s11], $0x0, s12, s11, $0x38;
	[tilespmem:$0x10400] =	vst v63  }
0x128: {  	s7 =	sadd.s32 s3, s21;
	s5 =	sadd.s32 $0x7C0, s19  }
0x129: {  	[tilespmem:s6], [sflag:$0x1] =	stream.linear.gather [hbm4b:s0+s2], $0x40, $0x38;
	[tilespmem:$0x10400] =	vst v63  }
0x12a: {  	s1 =	sand.u32 $0x1FFFFFF0, s20  }
0x12b: {  	[tilespmem:s5], [sflag:$0x1] =	stream.strided.gather [hbm4b:s7+s11], $0x0, s12, s11, $0x38;
	[tilespmem:$0x10400] =	vst v63  }
.Ltmp0:
0x12c: {  	_ = 	snop;
	(pc) =	sbr.rel @p0 .LBB2_2-.Ltmp0, $4  }
0x12d: {  	s1 =	sadd.s32 s4, s1;
	s0 =	sadd.s32 $0x87C0, s19  }
0x12e: {  	[tilespmem:s5], [sflag:$0x1] =	stream.linear.gather [hbm4b:s7+s2], $0x40, $0x38;
	[tilespmem:$0x10400] =	vst v63  }
0x12f: {  	_ = 	snop  }
0x130: {  	[tilespmem:s0], [sflag:$0x1] =	stream.strided.gather [hbm4b:s1+s11], $0x0, s12, s11, $0x38;
	[tilespmem:$0x10400] =	vst v63  }
0x131: {  	[tilespmem:s0], [sflag:$0x1] =	stream.linear.gather [hbm4b:s1+s2], $0x40, $0x38;
	[tilespmem:$0x10400] =	vst v63  }
0x132: {  	_ =	swait.ge [sflag:s13], $0x8000  }
0x133: {  	[sflag:s13] =	ssyncset.done $0x0  }
0x134: {  	[sflag:s13] =	ssyncadd.s32 $0xFFFF8000  }
0x135: {  	_ =	swait.ge [sflag:s13], $0x8000  }
0x136: {  	[sflag:s13] =	ssyncset.done $0x0  }
0x137: {  	s29 =	rddreg [dreg:$0x8];
	[sflag:s13] =	ssyncadd.s32 $0xFFFF8000  }
0x138: {  	[hbm4b:s29+s2] =	stream.linear.scatter [tilespmem:s12], [sflag:$0x2], $0x8000, $0x38;
	[tilespmem:$0x10400] =	vst v63  }
0x139: {  	s15 =	sadd.s32 $0x1, s15;
	_ =	swait.ge [sflag:s10], $0x8000  }
0x13a: {  	s31 =	simm.s32 $0x8400;
	p0 =	sne.s32 s15, s9;
	[sflag:s10] =	ssyncset.done $0x0  }
.Ltmp1:
0x13b: {  	s30 =	rddreg [dreg:$0x9];
	[sflag:s10] =	ssyncadd.s32 $0xFFFF8000;
	(pc) =	sbr.rel @p0 .LBB2_1-.Ltmp1, $4  }
0x13c: {  	[hbm4b:s30+s2] =	stream.linear.scatter [tilespmem:s31], [sflag:$0x2], $0x8000, $0x38;
	[tilespmem:$0x10400] =	vst v63  }
0x13d: {  	_ =	swait.ge [sflag:s10], $0x8000  }
0x13e: {  	[sflag:s10] =	ssyncset.done $0x0  }
0x13f: {  	[sflag:s10] =	ssyncadd.s32 $0xFFFF8000  }
0x140: {  	_ =	sfence.sel $0x180000  }
0x141: {  	[bflag:$0x0] =	sbarrier.arrive $0xFFFF  }
0x142: {  	_ =	strace $0x90000047  }
0x143: {  	s0 =	stileid.u32;
	[bflag:$0x2] =	sbarrier.arrive $0xFFFF  }
0x144: {  	p0 =	sne.s32 s0, $0x0;
	s0 =	rddreg [dreg:$0x5]  }
0x145: {  	s0 =	sadd.s32 @!p0 $0x100000, s0  }
0x146: {  	[sflag:s0] =	ssyncadd.tile.s32 @!p0 $0x1;
	_ =	shalt  }
.Lfunc_end2:
_tile_overlayer_lowered:
.L_overlay_start_2:
0x147: {  	(tag) =	ssettag $0x2  }
0x148: {  	s0 =	rddreg [dreg:$0x0];
	s2 =	stileid.u32  }
0x149: {  	s1 =	rddreg [dreg:$0x1];
	p0 =	sne.s32 s2, $0x0  }
0x14a: {  	s3 =	rddreg [dreg:$0x2];
	[bflag:$0x3] =	sbarrier.arrive $0xFFFF;
	s2 =	simm.s32 @!p0 $0x1C02  }
0x14b: {  	[timem:s3], [sflag:s2] =	dma.local @!p0 [hbm:s0], s1  }
0x14c: {  	s0 =	simm.s32 @!p0 $0x2  }
0x14d: {  	_ =	swait.ge @!p0 [sflag:s0], s1  }
0x14e: {  	s1 =	ssub.s32 @!p0 $0x0, s1;
	[sflag:s0] =	ssyncset.done @!p0 $0x0  }
0x14f: {  	[sflag:s0] =	ssyncadd.s32 @!p0 s1  }
0x150: {  	[bflag:$0x3] =	sbarrier.arrive $0xFFFF  }
0x151: {  	_ =	shalt  }

</sc_bundles>
